<compile_context>
chip_gen: v7x
topology: tpu7x:2x2x1
jax: 0.10.2.dev20260603
libtpu: 0.0.44.dev20260713+nightly
codegen_flags: <defaults>
</compile_context>

<pallas_src>
import functools

import jax
import jax.numpy as jnp
from jax import lax
from jax.experimental import pallas as pl
from jax.experimental.pallas import tpu as pltpu
from jax.experimental.pallas import tpu_sc as plsc

LANES = 16
NW = 32
CHUNK = 16
LBL_ROWS = 40
T_ROWS = LBL_ROWS + 4 * 128


def _proj_table_kernel(e_ref, wt_ref, b_ref, t_ref):
    t = jnp.dot(e_ref[...], wt_ref[...], preferred_element_type=jnp.float32)
    row = lax.broadcasted_iota(jnp.int32, t.shape, 0)
    t_ref[...] = t + jnp.where(row < LBL_ROWS, 1.0, 0.0) * b_ref[...]


def _build_proj_table(label_table, bbox_table, W, b):
    d_model = W.shape[0]
    e = jnp.zeros((T_ROWS, 5 * 128), dtype=jnp.float32)
    e = e.at[: label_table.shape[0], 0:128].set(label_table)
    for k in range(4):
        e = e.at[LBL_ROWS + 128 * k : LBL_ROWS + 128 * (k + 1),
                 128 * (k + 1) : 128 * (k + 2)].set(bbox_table)
    wt = W.T
    return pl.pallas_call(
        _proj_table_kernel,
        out_shape=jax.ShapeDtypeStruct((T_ROWS, d_model), jnp.float32),
    )(e, wt, b.reshape(1, d_model))


def _sc_gather_sum(tbl, label_flat, box_flat, tokens, d_model):
    per_worker = tokens // NW
    iters = per_worker // CHUNK
    mesh = plsc.VectorSubcoreMesh(core_axis_name="c", subcore_axis_name="s")

    @functools.partial(
        pl.kernel,
        out_type=jax.ShapeDtypeStruct((tokens, d_model), jnp.float32),
        mesh=mesh,
        scratch_types=[
            pltpu.VMEM((5 * CHUNK,), jnp.int32),
            pltpu.VMEM((5 * CHUNK, d_model), jnp.float32),
            pltpu.VMEM((CHUNK, d_model), jnp.float32),
            pltpu.SemaphoreType.DMA,
        ],
    )
    def k(tbl_hbm, label_hbm, box_hbm, out_hbm, idx_v, g_v, out_v, sem):
        wid = lax.axis_index("s") * 2 + lax.axis_index("c")
        w_base = wid * per_worker

        def body(it, carry):
            base = w_base + it * CHUNK
            pltpu.sync_copy(label_hbm.at[pl.ds(base, CHUNK)],
                            idx_v.at[pl.ds(0, CHUNK)])
            for j in range(4):
                pltpu.sync_copy(box_hbm.at[pl.ds(j * tokens + base, CHUNK)],
                                idx_v.at[pl.ds((j + 1) * CHUNK, CHUNK)])
            for j in range(4):
                sl = pl.ds((j + 1) * CHUNK, LANES)
                idx_v[sl] = idx_v[sl] + (LBL_ROWS + 128 * j)
            pltpu.async_copy(tbl_hbm.at[idx_v], g_v, sem).wait()

            def sum_body(i, c2):
                c = i // (d_model // LANES)
                h = (i % (d_model // LANES)) * LANES
                acc = g_v[c, pl.ds(h, LANES)]
                for j in range(1, 5):
                    acc = acc + g_v[j * CHUNK + c, pl.ds(h, LANES)]
                out_v[c, pl.ds(h, LANES)] = acc
                return c2

            lax.fori_loop(0, CHUNK * (d_model // LANES), sum_body, 0,
                          unroll=4)
            pltpu.sync_copy(out_v, out_hbm.at[pl.ds(base, CHUNK)])
            return carry

        lax.fori_loop(0, iters, body, 0)

    return k(tbl, label_flat, box_flat)


def kernel(label, box, label_table, bbox_table, W, b):
    s, n = label.shape
    d_model = W.shape[0]
    tokens = s * n
    tbl = _build_proj_table(label_table, bbox_table, W, b)
    label_flat = label.reshape(tokens).astype(jnp.int32)
    box_flat = box.reshape(tokens, 4).astype(jnp.int32).T.reshape(4 * tokens)
    out = _sc_gather_sum(tbl, label_flat, box_flat, tokens, d_model)
    return out.reshape(s, n, d_model)

# --- scband reference (transcript-rebuilt; emitter-appended) ---
"""Pipeline reference for scband-layout-embedding-23321672417414 (READ-ONLY COPY).

The authoritative reference and input builder live on the scoring server;
editing this copy changes nothing except your own understanding.
"""

import jax, jax.numpy as jnp
import numpy as np

NUM_LABELS = 32
GRID = 128
D_MODEL = 512
S, N = 50, 4096

def setup_inputs(seed: int = 0) -> dict:
    key = jax.random.key(seed)
    k1, k2, k3, k4, k5, k6 = jax.random.split(key, 6)
    label = jax.random.randint(k1, (S, N), 0, NUM_LABELS + 3, dtype=jnp.int64 if jax.config.jax_enable_x64 else jnp.int32)
    box = jax.random.randint(k2, (S, N, 4), 0, GRID, dtype=jnp.int64 if jax.config.jax_enable_x64 else jnp.int32)
    # parameters (kaiming-normal-ish init)
    label_table = jax.random.normal(k3, (NUM_LABELS + 3, 128), dtype=jnp.float32) * np.sqrt(2.0 / (NUM_LABELS + 3))
    bbox_table = jax.random.normal(k4, (GRID, 128), dtype=jnp.float32) * np.sqrt(2.0 / GRID)
    W = jax.random.normal(k5, (D_MODEL, 128 * 5), dtype=jnp.float32) * np.sqrt(2.0 / (128 * 5))
    b = jnp.zeros((D_MODEL,), dtype=jnp.float32)
    return {"label": label, "box": box, "label_table": label_table, "bbox_table": bbox_table, "W": W, "b": b}

def reference(label, box, label_table, bbox_table, W, b):
    # label_embed lookup: [S, N, 128]
    label_vecs = jnp.take(label_table, label, axis=0)
    # bbox_embed lookup: [S, N, 4, 128] -> [S, N, 512]
    bbox_vecs = jnp.take(bbox_table, box, axis=0)
    s, n = label.shape
    bbox_vecs = bbox_vecs.reshape(s, n, -1)
    # concat -> [S, N, 640]; proj_cat Linear(640 -> d_model)
    src = jnp.concatenate((label_vecs, bbox_vecs), axis=-1)
    src = src @ W.T + b
    return src

if __name__ == "__main__":
    import jax
    _d = setup_inputs()
    print(jax.jit(kernel)(*tuple(_d.values())))

</pallas_src>

<mosaic_0001>
#map = affine_map<(d0, d1) -> (0, 0)>
#map1 = affine_map<(d0, d1) -> (0)>
module attributes {stable_mosaic.version = 14 : i64} {
  func.func @k(%arg0: i32, %arg1: i32, %arg2: memref<552x512xf32, #tpu.memory_space<hbm>>, %arg3: memref<204800xi32, #tpu.memory_space<hbm>>, %arg4: memref<819200xi32, #tpu.memory_space<hbm>>, %arg5: memref<204800x512xf32, #tpu.memory_space<hbm>>, %arg6: memref<80xi32, #tpu.memory_space<vmem>>, %arg7: memref<80x512xf32, #tpu.memory_space<vmem>>, %arg8: memref<16x512xf32, #tpu.memory_space<vmem>>, %arg9: memref<!tpu.dma_semaphore, #tpu.memory_space<semaphore_mem>>) attributes {dimension_semantics = [#tpu.dimension_semantics<core_parallel>, #tpu.dimension_semantics<subcore_parallel>], iteration_bounds = array<i64: 2, 16>, scalar_prefetch = 0 : i64, scratch_operands = 4 : i64, tpu.core_type = #tpu.core_type<sc_vector_subcore>, window_params = [{transform_indices = #map}, {transform_indices = #map1}, {transform_indices = #map1}, {transform_indices = #map}]} {
    %mul3A = arith.constant 2 : i32
    %mul3A_0 = arith.muli %arg1, %mul3A : i32
    %add3A = arith.addi %mul3A_0, %arg0 : i32
    %mul3A_1 = arith.constant 6400 : i32
    %mul3A_2 = arith.muli %add3A, %mul3A_1 : i32
    %scan3A = arith.constant 0 : i32
    %scan3A_3 = arith.constant 0 : i32
    %scan3A_4 = arith.constant 400 : i32
    %scan3A_5 = arith.addi %scan3A_3, %scan3A_4 : i32
    %scan3A_6 = arith.constant 1 : i32
    scf.for %scan3A_8 = %scan3A_3 to %scan3A_5 step %scan3A_6  : i32 {
      %mul3A_9 = arith.constant 16 : i32
      %mul3A_10 = arith.muli %scan3A_8, %mul3A_9 : i32
      %add3A_11 = arith.addi %mul3A_2, %mul3A_10 : i32
      "tpu.region"() ({
        %run_scoped3A = tpu.sem_alloc : memref<!tpu.dma_semaphore, #tpu.memory_space<semaphore_mem>>
        %dma_start3A_68 = arith.constant 0 : i32
        %dma_start3A_69 = tpu.memref_slice %arg6[%dma_start3A_68] : memref<80xi32, #tpu.memory_space<vmem>> -> memref<16xi32, #tpu.memory_space<vmem>>
        %dma_start3A_70 = tpu.memref_slice %arg3[%add3A_11] : memref<204800xi32, #tpu.memory_space<hbm>> -> memref<16xi32, #tpu.memory_space<hbm>>
        %dma_start3A_71 = arith.constant 0 : i32
        %dma_start3A_72 = tpu.memref_slice %arg6[%dma_start3A_71] : memref<80xi32, #tpu.memory_space<vmem>> -> memref<16xi32, #tpu.memory_space<vmem>>
        %dma_start3A_73 = tpu.memref_slice %arg3[%add3A_11] : memref<204800xi32, #tpu.memory_space<hbm>> -> memref<16xi32, #tpu.memory_space<hbm>>
        tpu.enqueue_dma source(%dma_start3A_73 : memref<16xi32, #tpu.memory_space<hbm>>) target(%dma_start3A_72 : memref<16xi32, #tpu.memory_space<vmem>>) target_semaphore(%run_scoped3A : memref<!tpu.dma_semaphore, #tpu.memory_space<semaphore_mem>>)
        %dma_wait3A_74 = arith.constant 0 : i32
        %dma_wait3A_75 = tpu.memref_slice %arg6[%dma_wait3A_74] : memref<80xi32, #tpu.memory_space<vmem>> -> memref<16xi32, #tpu.memory_space<vmem>>
        %dma_wait3A_76 = tpu.memref_slice %arg3[%add3A_11] : memref<204800xi32, #tpu.memory_space<hbm>> -> memref<16xi32, #tpu.memory_space<hbm>>
        %dma_wait3A_77 = arith.constant 0 : i32
        %dma_wait3A_78 = tpu.memref_slice %arg6[%dma_wait3A_77] : memref<80xi32, #tpu.memory_space<vmem>> -> memref<16xi32, #tpu.memory_space<vmem>>
        %dma_wait3A_79 = tpu.memref_slice %arg3[%add3A_11] : memref<204800xi32, #tpu.memory_space<hbm>> -> memref<16xi32, #tpu.memory_space<hbm>>
        tpu.wait_dma2 semaphore(%run_scoped3A : memref<!tpu.dma_semaphore, #tpu.memory_space<semaphore_mem>>) src(%dma_wait3A_79 : memref<16xi32, #tpu.memory_space<hbm>>) dst(%dma_wait3A_78 : memref<16xi32, #tpu.memory_space<vmem>>)
        tpu.yield
      }) : () -> ()
      %add3A_12 = arith.constant 0 : i32
      %add3A_13 = arith.addi %add3A_12, %add3A_11 : i32
      "tpu.region"() ({
        %run_scoped3A = tpu.sem_alloc : memref<!tpu.dma_semaphore, #tpu.memory_space<semaphore_mem>>
        %dma_start3A_68 = arith.constant 16 : i32
        %dma_start3A_69 = tpu.memref_slice %arg6[%dma_start3A_68] : memref<80xi32, #tpu.memory_space<vmem>> -> memref<16xi32, #tpu.memory_space<vmem>>
        %dma_start3A_70 = tpu.memref_slice %arg4[%add3A_13] : memref<819200xi32, #tpu.memory_space<hbm>> -> memref<16xi32, #tpu.memory_space<hbm>>
        %dma_start3A_71 = arith.constant 16 : i32
        %dma_start3A_72 = tpu.memref_slice %arg6[%dma_start3A_71] : memref<80xi32, #tpu.memory_space<vmem>> -> memref<16xi32, #tpu.memory_space<vmem>>
        %dma_start3A_73 = tpu.memref_slice %arg4[%add3A_13] : memref<819200xi32, #tpu.memory_space<hbm>> -> memref<16xi32, #tpu.memory_space<hbm>>
        tpu.enqueue_dma source(%dma_start3A_73 : memref<16xi32, #tpu.memory_space<hbm>>) target(%dma_start3A_72 : memref<16xi32, #tpu.memory_space<vmem>>) target_semaphore(%run_scoped3A : memref<!tpu.dma_semaphore, #tpu.memory_space<semaphore_mem>>)
        %dma_wait3A_74 = arith.constant 16 : i32
        %dma_wait3A_75 = tpu.memref_slice %arg6[%dma_wait3A_74] : memref<80xi32, #tpu.memory_space<vmem>> -> memref<16xi32, #tpu.memory_space<vmem>>
        %dma_wait3A_76 = tpu.memref_slice %arg4[%add3A_13] : memref<819200xi32, #tpu.memory_space<hbm>> -> memref<16xi32, #tpu.memory_space<hbm>>
        %dma_wait3A_77 = arith.constant 16 : i32
        %dma_wait3A_78 = tpu.memref_slice %arg6[%dma_wait3A_77] : memref<80xi32, #tpu.memory_space<vmem>> -> memref<16xi32, #tpu.memory_space<vmem>>
        %dma_wait3A_79 = tpu.memref_slice %arg4[%add3A_13] : memref<819200xi32, #tpu.memory_space<hbm>> -> memref<16xi32, #tpu.memory_space<hbm>>
        tpu.wait_dma2 semaphore(%run_scoped3A : memref<!tpu.dma_semaphore, #tpu.memory_space<semaphore_mem>>) src(%dma_wait3A_79 : memref<16xi32, #tpu.memory_space<hbm>>) dst(%dma_wait3A_78 : memref<16xi32, #tpu.memory_space<vmem>>)
        tpu.yield
      }) : () -> ()
      %add3A_14 = arith.constant 204800 : i32
      %add3A_15 = arith.addi %add3A_14, %add3A_11 : i32
      "tpu.region"() ({
        %run_scoped3A = tpu.sem_alloc : memref<!tpu.dma_semaphore, #tpu.memory_space<semaphore_mem>>
        %dma_start3A_68 = arith.constant 32 : i32
        %dma_start3A_69 = tpu.memref_slice %arg6[%dma_start3A_68] : memref<80xi32, #tpu.memory_space<vmem>> -> memref<16xi32, #tpu.memory_space<vmem>>
        %dma_start3A_70 = tpu.memref_slice %arg4[%add3A_15] : memref<819200xi32, #tpu.memory_space<hbm>> -> memref<16xi32, #tpu.memory_space<hbm>>
        %dma_start3A_71 = arith.constant 32 : i32
        %dma_start3A_72 = tpu.memref_slice %arg6[%dma_start3A_71] : memref<80xi32, #tpu.memory_space<vmem>> -> memref<16xi32, #tpu.memory_space<vmem>>
        %dma_start3A_73 = tpu.memref_slice %arg4[%add3A_15] : memref<819200xi32, #tpu.memory_space<hbm>> -> memref<16xi32, #tpu.memory_space<hbm>>
        tpu.enqueue_dma source(%dma_start3A_73 : memref<16xi32, #tpu.memory_space<hbm>>) target(%dma_start3A_72 : memref<16xi32, #tpu.memory_space<vmem>>) target_semaphore(%run_scoped3A : memref<!tpu.dma_semaphore, #tpu.memory_space<semaphore_mem>>)
        %dma_wait3A_74 = arith.constant 32 : i32
        %dma_wait3A_75 = tpu.memref_slice %arg6[%dma_wait3A_74] : memref<80xi32, #tpu.memory_space<vmem>> -> memref<16xi32, #tpu.memory_space<vmem>>
        %dma_wait3A_76 = tpu.memref_slice %arg4[%add3A_15] : memref<819200xi32, #tpu.memory_space<hbm>> -> memref<16xi32, #tpu.memory_space<hbm>>
        %dma_wait3A_77 = arith.constant 32 : i32
        %dma_wait3A_78 = tpu.memref_slice %arg6[%dma_wait3A_77] : memref<80xi32, #tpu.memory_space<vmem>> -> memref<16xi32, #tpu.memory_space<vmem>>
        %dma_wait3A_79 = tpu.memref_slice %arg4[%add3A_15] : memref<819200xi32, #tpu.memory_space<hbm>> -> memref<16xi32, #tpu.memory_space<hbm>>
        tpu.wait_dma2 semaphore(%run_scoped3A : memref<!tpu.dma_semaphore, #tpu.memory_space<semaphore_mem>>) src(%dma_wait3A_79 : memref<16xi32, #tpu.memory_space<hbm>>) dst(%dma_wait3A_78 : memref<16xi32, #tpu.memory_space<vmem>>)
        tpu.yield
      }) : () -> ()
      %add3A_16 = arith.constant 409600 : i32
      %add3A_17 = arith.addi %add3A_16, %add3A_11 : i32
      "tpu.region"() ({
        %run_scoped3A = tpu.sem_alloc : memref<!tpu.dma_semaphore, #tpu.memory_space<semaphore_mem>>
        %dma_start3A_68 = arith.constant 48 : i32
        %dma_start3A_69 = tpu.memref_slice %arg6[%dma_start3A_68] : memref<80xi32, #tpu.memory_space<vmem>> -> memref<16xi32, #tpu.memory_space<vmem>>
        %dma_start3A_70 = tpu.memref_slice %arg4[%add3A_17] : memref<819200xi32, #tpu.memory_space<hbm>> -> memref<16xi32, #tpu.memory_space<hbm>>
        %dma_start3A_71 = arith.constant 48 : i32
        %dma_start3A_72 = tpu.memref_slice %arg6[%dma_start3A_71] : memref<80xi32, #tpu.memory_space<vmem>> -> memref<16xi32, #tpu.memory_space<vmem>>
        %dma_start3A_73 = tpu.memref_slice %arg4[%add3A_17] : memref<819200xi32, #tpu.memory_space<hbm>> -> memref<16xi32, #tpu.memory_space<hbm>>
        tpu.enqueue_dma source(%dma_start3A_73 : memref<16xi32, #tpu.memory_space<hbm>>) target(%dma_start3A_72 : memref<16xi32, #tpu.memory_space<vmem>>) target_semaphore(%run_scoped3A : memref<!tpu.dma_semaphore, #tpu.memory_space<semaphore_mem>>)
        %dma_wait3A_74 = arith.constant 48 : i32
        %dma_wait3A_75 = tpu.memref_slice %arg6[%dma_wait3A_74] : memref<80xi32, #tpu.memory_space<vmem>> -> memref<16xi32, #tpu.memory_space<vmem>>
        %dma_wait3A_76 = tpu.memref_slice %arg4[%add3A_17] : memref<819200xi32, #tpu.memory_space<hbm>> -> memref<16xi32, #tpu.memory_space<hbm>>
        %dma_wait3A_77 = arith.constant 48 : i32
        %dma_wait3A_78 = tpu.memref_slice %arg6[%dma_wait3A_77] : memref<80xi32, #tpu.memory_space<vmem>> -> memref<16xi32, #tpu.memory_space<vmem>>
        %dma_wait3A_79 = tpu.memref_slice %arg4[%add3A_17] : memref<819200xi32, #tpu.memory_space<hbm>> -> memref<16xi32, #tpu.memory_space<hbm>>
        tpu.wait_dma2 semaphore(%run_scoped3A : memref<!tpu.dma_semaphore, #tpu.memory_space<semaphore_mem>>) src(%dma_wait3A_79 : memref<16xi32, #tpu.memory_space<hbm>>) dst(%dma_wait3A_78 : memref<16xi32, #tpu.memory_space<vmem>>)
        tpu.yield
      }) : () -> ()
      %add3A_18 = arith.constant 614400 : i32
      %add3A_19 = arith.addi %add3A_18, %add3A_11 : i32
      "tpu.region"() ({
        %run_scoped3A = tpu.sem_alloc : memref<!tpu.dma_semaphore, #tpu.memory_space<semaphore_mem>>
        %dma_start3A_68 = arith.constant 64 : i32
        %dma_start3A_69 = tpu.memref_slice %arg6[%dma_start3A_68] : memref<80xi32, #tpu.memory_space<vmem>> -> memref<16xi32, #tpu.memory_space<vmem>>
        %dma_start3A_70 = tpu.memref_slice %arg4[%add3A_19] : memref<819200xi32, #tpu.memory_space<hbm>> -> memref<16xi32, #tpu.memory_space<hbm>>
        %dma_start3A_71 = arith.constant 64 : i32
        %dma_start3A_72 = tpu.memref_slice %arg6[%dma_start3A_71] : memref<80xi32, #tpu.memory_space<vmem>> -> memref<16xi32, #tpu.memory_space<vmem>>
        %dma_start3A_73 = tpu.memref_slice %arg4[%add3A_19] : memref<819200xi32, #tpu.memory_space<hbm>> -> memref<16xi32, #tpu.memory_space<hbm>>
        tpu.enqueue_dma source(%dma_start3A_73 : memref<16xi32, #tpu.memory_space<hbm>>) target(%dma_start3A_72 : memref<16xi32, #tpu.memory_space<vmem>>) target_semaphore(%run_scoped3A : memref<!tpu.dma_semaphore, #tpu.memory_space<semaphore_mem>>)
        %dma_wait3A_74 = arith.constant 64 : i32
        %dma_wait3A_75 = tpu.memref_slice %arg6[%dma_wait3A_74] : memref<80xi32, #tpu.memory_space<vmem>> -> memref<16xi32, #tpu.memory_space<vmem>>
        %dma_wait3A_76 = tpu.memref_slice %arg4[%add3A_19] : memref<819200xi32, #tpu.memory_space<hbm>> -> memref<16xi32, #tpu.memory_space<hbm>>
        %dma_wait3A_77 = arith.constant 64 : i32
        %dma_wait3A_78 = tpu.memref_slice %arg6[%dma_wait3A_77] : memref<80xi32, #tpu.memory_space<vmem>> -> memref<16xi32, #tpu.memory_space<vmem>>
        %dma_wait3A_79 = tpu.memref_slice %arg4[%add3A_19] : memref<819200xi32, #tpu.memory_space<hbm>> -> memref<16xi32, #tpu.memory_space<hbm>>
        tpu.wait_dma2 semaphore(%run_scoped3A : memref<!tpu.dma_semaphore, #tpu.memory_space<semaphore_mem>>) src(%dma_wait3A_79 : memref<16xi32, #tpu.memory_space<hbm>>) dst(%dma_wait3A_78 : memref<16xi32, #tpu.memory_space<vmem>>)
        tpu.yield
      }) : () -> ()
      %get3A = arith.constant 16 : index
      %get3A_20 = tpu.vector_load %arg6[%get3A] {strides = array<i32>} : memref<80xi32, #tpu.memory_space<vmem>>, vector<16xi32>,
      %get3A_21 = vector.shape_cast %get3A_20 : vector<16xi32> to vector<16xi32>
      %add3A_22 = arith.constant 40 : i32
      %add3A_23 = vector.broadcast %add3A_22 : i32 to vector<16xi32>
      %add3A_24 = arith.addi %get3A_21, %add3A_23 : vector<16xi32>
      %swap3A = arith.constant 16 : index
      %swap3A_25 = tpu.vector_load %arg6[%swap3A] {strides = array<i32>} : memref<80xi32, #tpu.memory_space<vmem>>, vector<16xi32>,
      %swap3A_26 = vector.shape_cast %swap3A_25 : vector<16xi32> to vector<16xi32>
      %swap3A_27 = vector.shape_cast %add3A_24 : vector<16xi32> to vector<16xi32>
      tpu.vector_store %arg6[%swap3A], %swap3A_27 {strides = array<i32>} : memref<80xi32, #tpu.memory_space<vmem>>, vector<16xi32>,
      %get3A_28 = arith.constant 32 : index
      %get3A_29 = tpu.vector_load %arg6[%get3A_28] {strides = array<i32>} : memref<80xi32, #tpu.memory_space<vmem>>, vector<16xi32>,
      %get3A_30 = vector.shape_cast %get3A_29 : vector<16xi32> to vector<16xi32>
      %add3A_31 = arith.constant 168 : i32
      %add3A_32 = vector.broadcast %add3A_31 : i32 to vector<16xi32>
      %add3A_33 = arith.addi %get3A_30, %add3A_32 : vector<16xi32>
      %swap3A_34 = arith.constant 32 : index
      %swap3A_35 = tpu.vector_load %arg6[%swap3A_34] {strides = array<i32>} : memref<80xi32, #tpu.memory_space<vmem>>, vector<16xi32>,
      %swap3A_36 = vector.shape_cast %swap3A_35 : vector<16xi32> to vector<16xi32>
      %swap3A_37 = vector.shape_cast %add3A_33 : vector<16xi32> to vector<16xi32>
      tpu.vector_store %arg6[%swap3A_34], %swap3A_37 {strides = array<i32>} : memref<80xi32, #tpu.memory_space<vmem>>, vector<16xi32>,
      %get3A_38 = arith.constant 48 : index
      %get3A_39 = tpu.vector_load %arg6[%get3A_38] {strides = array<i32>} : memref<80xi32, #tpu.memory_space<vmem>>, vector<16xi32>,
      %get3A_40 = vector.shape_cast %get3A_39 : vector<16xi32> to vector<16xi32>
      %add3A_41 = arith.constant 296 : i32
      %add3A_42 = vector.broadcast %add3A_41 : i32 to vector<16xi32>
      %add3A_43 = arith.addi %get3A_40, %add3A_42 : vector<16xi32>
      %swap3A_44 = arith.constant 48 : index
      %swap3A_45 = tpu.vector_load %arg6[%swap3A_44] {strides = array<i32>} : memref<80xi32, #tpu.memory_space<vmem>>, vector<16xi32>,
      %swap3A_46 = vector.shape_cast %swap3A_45 : vector<16xi32> to vector<16xi32>
      %swap3A_47 = vector.shape_cast %add3A_43 : vector<16xi32> to vector<16xi32>
      tpu.vector_store %arg6[%swap3A_44], %swap3A_47 {strides = array<i32>} : memref<80xi32, #tpu.memory_space<vmem>>, vector<16xi32>,
      %get3A_48 = arith.constant 64 : index
      %get3A_49 = tpu.vector_load %arg6[%get3A_48] {strides = array<i32>} : memref<80xi32, #tpu.memory_space<vmem>>, vector<16xi32>,
      %get3A_50 = vector.shape_cast %get3A_49 : vector<16xi32> to vector<16xi32>
      %add3A_51 = arith.constant 424 : i32
      %add3A_52 = vector.broadcast %add3A_51 : i32 to vector<16xi32>
      %add3A_53 = arith.addi %get3A_50, %add3A_52 : vector<16xi32>
      %swap3A_54 = arith.constant 64 : index
      %swap3A_55 = tpu.vector_load %arg6[%swap3A_54] {strides = array<i32>} : memref<80xi32, #tpu.memory_space<vmem>>, vector<16xi32>,
      %swap3A_56 = vector.shape_cast %swap3A_55 : vector<16xi32> to vector<16xi32>
      %swap3A_57 = vector.shape_cast %add3A_53 : vector<16xi32> to vector<16xi32>
      tpu.vector_store %arg6[%swap3A_54], %swap3A_57 {strides = array<i32>} : memref<80xi32, #tpu.memory_space<vmem>>, vector<16xi32>,
      %dma_start3A = arith.constant 0 : i32
      %dma_start3A_58 = arith.constant 0 : i32
      %dma_start3A_59 = tpu.memref_slice %arg2[%dma_start3A, %dma_start3A_58] : memref<552x512xf32, #tpu.memory_space<hbm>> -> memref<552x512xf32, #tpu.memory_space<hbm>>
      tpu.enqueue_indirect_dma source(%dma_start3A_59 : memref<552x512xf32, #tpu.memory_space<hbm>>) target(%arg7 : memref<80x512xf32, #tpu.memory_space<vmem>>) offsets(%arg6 : memref<80xi32, #tpu.memory_space<vmem>>) semaphore(%arg9 : memref<!tpu.dma_semaphore, #tpu.memory_space<semaphore_mem>>)
      %dma_wait3A = arith.constant 0 : i32
      %dma_wait3A_60 = arith.constant 0 : i32
      %dma_wait3A_61 = tpu.memref_slice %arg2[%dma_wait3A, %dma_wait3A_60] : memref<552x512xf32, #tpu.memory_space<hbm>> -> memref<552x512xf32, #tpu.memory_space<hbm>>
      tpu.wait_indirect_dma semaphore(%arg9 : memref<!tpu.dma_semaphore, #tpu.memory_space<semaphore_mem>>) src(%dma_wait3A_61 : memref<552x512xf32, #tpu.memory_space<hbm>>) dst(%arg7 : memref<80x512xf32, #tpu.memory_space<vmem>>)
      %scan3A_62 = arith.constant 0 : i32
      %scan3A_63 = arith.constant 0 : i32
      %scan3A_64 = arith.constant 512 : i32
      %scan3A_65 = arith.addi %scan3A_63, %scan3A_64 : i32
      %scan3A_66 = arith.constant 4 : i32
      scf.for %scan3A_68 = %scan3A_63 to %scan3A_65 step %scan3A_66  : i32 {
        %jit3A = arith.constant 32 : i32
        %div3A = arith.divsi %scan3A_68, %jit3A : i32
        %sign3A = arith.constant 0 : i32
        %sign3A_69 = arith.cmpi sgt, %scan3A_68, %sign3A : i32
        %sign3A_70 = arith.extui %sign3A_69 : i1 to i32
        %sign3A_71 = arith.constant 0 : i32
        %sign3A_72 = arith.cmpi slt, %scan3A_68, %sign3A_71 : i32
        %sign3A_73 = arith.extui %sign3A_72 : i1 to i32
        %sign3A_74 = arith.subi %sign3A_70, %sign3A_73 : i32
        %sign3A_75 = arith.constant 0 : i32
        %sign3A_76 = arith.cmpi sgt, %jit3A, %sign3A_75 : i32
        %sign3A_77 = arith.extui %sign3A_76 : i1 to i32
        %sign3A_78 = arith.constant 0 : i32
        %sign3A_79 = arith.cmpi slt, %jit3A, %sign3A_78 : i32
        %sign3A_80 = arith.extui %sign3A_79 : i1 to i32
        %sign3A_81 = arith.subi %sign3A_77, %sign3A_80 : i32
        %ne3A = arith.cmpi ne, %sign3A_74, %sign3A_81 : i32
        %rem3A = arith.remsi %scan3A_68, %jit3A : i32
        %ne3A_82 = arith.constant 0 : i32
        %ne3A_83 = arith.cmpi ne, %rem3A, %ne3A_82 : i32
        %and3A = arith.andi %ne3A, %ne3A_83 : i1
        %sub3A = arith.constant 1 : i32
        %sub3A_84 = arith.subi %div3A, %sub3A : i32
        %select_n3A = arith.select %and3A, %sub3A_84, %div3A : i32
        %jit3A_85 = arith.constant 32 : i32
        %eq3A = arith.constant 0 : i32
        %eq3A_86 = arith.cmpi eq, %jit3A_85, %eq3A : i32
        %jit3A_87 = arith.constant 1 : i32
        %select_n3A_88 = arith.select %eq3A_86, %jit3A_87, %jit3A_85 : i32
        %rem3A_89 = arith.remsi %scan3A_68, %select_n3A_88 : i32
        %ne3A_90 = arith.constant 0 : i32
        %ne3A_91 = arith.cmpi ne, %rem3A_89, %ne3A_90 : i32
        %lt3A = arith.constant 0 : i32
        %lt3A_92 = arith.cmpi slt, %rem3A_89, %lt3A : i32
        %lt3A_93 = arith.constant 0 : i32
        %lt3A_94 = arith.cmpi slt, %select_n3A_88, %lt3A_93 : i32
        %ne3A_95 = arith.xori %lt3A_92, %lt3A_94 : i1
        %and3A_96 = arith.andi %ne3A_95, %ne3A_91 : i1
        %add3A_97 = arith.addi %rem3A_89, %select_n3A_88 : i32
        %select_n3A_98 = arith.select %and3A_96, %add3A_97, %rem3A_89 : i32
        %mul3A_99 = arith.constant 16 : i32
        %mul3A_100 = arith.muli %select_n3A_98, %mul3A_99 : i32
        %get3A_101 = arith.index_cast %select_n3A : i32 to index
        %get3A_102 = arith.index_cast %mul3A_100 : i32 to index
        %get3A_103 = tpu.vector_load %arg7[%get3A_101, %get3A_102] {strides = array<i32>} : memref<80x512xf32, #tpu.memory_space<vmem>>, vector<1x16xf32>,
        %get3A_104 = vector.shape_cast %get3A_103 : vector<1x16xf32> to vector<16xf32>
        %add3A_105 = arith.constant 16 : i32
        %add3A_106 = arith.addi %add3A_105, %select_n3A : i32
        %get3A_107 = arith.index_cast %add3A_106 : i32 to index
        %get3A_108 = arith.index_cast %mul3A_100 : i32 to index
        %get3A_109 = tpu.vector_load %arg7[%get3A_107, %get3A_108] {strides = array<i32>} : memref<80x512xf32, #tpu.memory_space<vmem>>, vector<1x16xf32>,
        %get3A_110 = vector.shape_cast %get3A_109 : vector<1x16xf32> to vector<16xf32>
        %add3A_111 = arith.addf %get3A_104, %get3A_110 : vector<16xf32>
        %add3A_112 = arith.constant 32 : i32
        %add3A_113 = arith.addi %add3A_112, %select_n3A : i32
        %get3A_114 = arith.index_cast %add3A_113 : i32 to index
        %get3A_115 = arith.index_cast %mul3A_100 : i32 to index
        %get3A_116 = tpu.vector_load %arg7[%get3A_114, %get3A_115] {strides = array<i32>} : memref<80x512xf32, #tpu.memory_space<vmem>>, vector<1x16xf32>,
        %get3A_117 = vector.shape_cast %get3A_116 : vector<1x16xf32> to vector<16xf32>
        %add3A_118 = arith.addf %add3A_111, %get3A_117 : vector<16xf32>
        %add3A_119 = arith.constant 48 : i32
        %add3A_120 = arith.addi %add3A_119, %select_n3A : i32
        %get3A_121 = arith.index_cast %add3A_120 : i32 to index
        %get3A_122 = arith.index_cast %mul3A_100 : i32 to index
        %get3A_123 = tpu.vector_load %arg7[%get3A_121, %get3A_122] {strides = array<i32>} : memref<80x512xf32, #tpu.memory_space<vmem>>, vector<1x16xf32>,
        %get3A_124 = vector.shape_cast %get3A_123 : vector<1x16xf32> to vector<16xf32>
        %add3A_125 = arith.addf %add3A_118, %get3A_124 : vector<16xf32>
        %add3A_126 = arith.constant 64 : i32
        %add3A_127 = arith.addi %add3A_126, %select_n3A : i32
        %get3A_128 = arith.index_cast %add3A_127 : i32 to index
        %get3A_129 = arith.index_cast %mul3A_100 : i32 to index
        %get3A_130 = tpu.vector_load %arg7[%get3A_128, %get3A_129] {strides = array<i32>} : memref<80x512xf32, #tpu.memory_space<vmem>>, vector<1x16xf32>,
        %get3A_131 = vector.shape_cast %get3A_130 : vector<1x16xf32> to vector<16xf32>
        %add3A_132 = arith.addf %add3A_125, %get3A_131 : vector<16xf32>
        %swap3A_133 = arith.index_cast %select_n3A : i32 to index
        %swap3A_134 = arith.index_cast %mul3A_100 : i32 to index
        %swap3A_135 = tpu.vector_load %arg8[%swap3A_133, %swap3A_134] {strides = array<i32>} : memref<16x512xf32, #tpu.memory_space<vmem>>, vector<1x16xf32>,
        %swap3A_136 = vector.shape_cast %swap3A_135 : vector<1x16xf32> to vector<16xf32>
        %swap3A_137 = vector.shape_cast %add3A_132 : vector<16xf32> to vector<1x16xf32>
        tpu.vector_store %arg8[%swap3A_133, %swap3A_134], %swap3A_137 {strides = array<i32>} : memref<16x512xf32, #tpu.memory_space<vmem>>, vector<1x16xf32>,
        %scan3A_138 = arith.constant 1 : i32
        %scan3A_139 = arith.addi %scan3A_68, %scan3A_138 : i32
        %jit3A_140 = arith.constant 32 : i32
        %div3A_141 = arith.divsi %scan3A_139, %jit3A_140 : i32
        %sign3A_142 = arith.constant 0 : i32
        %sign3A_143 = arith.cmpi sgt, %scan3A_139, %sign3A_142 : i32
        %sign3A_144 = arith.extui %sign3A_143 : i1 to i32
        %sign3A_145 = arith.constant 0 : i32
        %sign3A_146 = arith.cmpi slt, %scan3A_139, %sign3A_145 : i32
        %sign3A_147 = arith.extui %sign3A_146 : i1 to i32
        %sign3A_148 = arith.subi %sign3A_144, %sign3A_147 : i32
        %sign3A_149 = arith.constant 0 : i32
        %sign3A_150 = arith.cmpi sgt, %jit3A_140, %sign3A_149 : i32
        %sign3A_151 = arith.extui %sign3A_150 : i1 to i32
        %sign3A_152 = arith.constant 0 : i32
        %sign3A_153 = arith.cmpi slt, %jit3A_140, %sign3A_152 : i32
        %sign3A_154 = arith.extui %sign3A_153 : i1 to i32
        %sign3A_155 = arith.subi %sign3A_151, %sign3A_154 : i32
        %ne3A_156 = arith.cmpi ne, %sign3A_148, %sign3A_155 : i32
        %rem3A_157 = arith.remsi %scan3A_139, %jit3A_140 : i32
        %ne3A_158 = arith.constant 0 : i32
        %ne3A_159 = arith.cmpi ne, %rem3A_157, %ne3A_158 : i32
        %and3A_160 = arith.andi %ne3A_156, %ne3A_159 : i1
        %sub3A_161 = arith.constant 1 : i32
        %sub3A_162 = arith.subi %div3A_141, %sub3A_161 : i32
        %select_n3A_163 = arith.select %and3A_160, %sub3A_162, %div3A_141 : i32
        %jit3A_164 = arith.constant 32 : i32
        %eq3A_165 = arith.constant 0 : i32
        %eq3A_166 = arith.cmpi eq, %jit3A_164, %eq3A_165 : i32
        %jit3A_167 = arith.constant 1 : i32
        %select_n3A_168 = arith.select %eq3A_166, %jit3A_167, %jit3A_164 : i32
        %rem3A_169 = arith.remsi %scan3A_139, %select_n3A_168 : i32
        %ne3A_170 = arith.constant 0 : i32
        %ne3A_171 = arith.cmpi ne, %rem3A_169, %ne3A_170 : i32
        %lt3A_172 = arith.constant 0 : i32
        %lt3A_173 = arith.cmpi slt, %rem3A_169, %lt3A_172 : i32
        %lt3A_174 = arith.constant 0 : i32
        %lt3A_175 = arith.cmpi slt, %select_n3A_168, %lt3A_174 : i32
        %ne3A_176 = arith.xori %lt3A_173, %lt3A_175 : i1
        %and3A_177 = arith.andi %ne3A_176, %ne3A_171 : i1
        %add3A_178 = arith.addi %rem3A_169, %select_n3A_168 : i32
        %select_n3A_179 = arith.select %and3A_177, %add3A_178, %rem3A_169 : i32
        %mul3A_180 = arith.constant 16 : i32
        %mul3A_181 = arith.muli %select_n3A_179, %mul3A_180 : i32
        %get3A_182 = arith.index_cast %select_n3A_163 : i32 to index
        %get3A_183 = arith.index_cast %mul3A_181 : i32 to index
        %get3A_184 = tpu.vector_load %arg7[%get3A_182, %get3A_183] {strides = array<i32>} : memref<80x512xf32, #tpu.memory_space<vmem>>, vector<1x16xf32>,
        %get3A_185 = vector.shape_cast %get3A_184 : vector<1x16xf32> to vector<16xf32>
        %add3A_186 = arith.constant 16 : i32
        %add3A_187 = arith.addi %add3A_186, %select_n3A_163 : i32
        %get3A_188 = arith.index_cast %add3A_187 : i32 to index
        %get3A_189 = arith.index_cast %mul3A_181 : i32 to index
        %get3A_190 = tpu.vector_load %arg7[%get3A_188, %get3A_189] {strides = array<i32>} : memref<80x512xf32, #tpu.memory_space<vmem>>, vector<1x16xf32>,
        %get3A_191 = vector.shape_cast %get3A_190 : vector<1x16xf32> to vector<16xf32>
        %add3A_192 = arith.addf %get3A_185, %get3A_191 : vector<16xf32>
        %add3A_193 = arith.constant 32 : i32
        %add3A_194 = arith.addi %add3A_193, %select_n3A_163 : i32
        %get3A_195 = arith.index_cast %add3A_194 : i32 to index
        %get3A_196 = arith.index_cast %mul3A_181 : i32 to index
        %get3A_197 = tpu.vector_load %arg7[%get3A_195, %get3A_196] {strides = array<i32>} : memref<80x512xf32, #tpu.memory_space<vmem>>, vector<1x16xf32>,
        %get3A_198 = vector.shape_cast %get3A_197 : vector<1x16xf32> to vector<16xf32>
        %add3A_199 = arith.addf %add3A_192, %get3A_198 : vector<16xf32>
        %add3A_200 = arith.constant 48 : i32
        %add3A_201 = arith.addi %add3A_200, %select_n3A_163 : i32
        %get3A_202 = arith.index_cast %add3A_201 : i32 to index
        %get3A_203 = arith.index_cast %mul3A_181 : i32 to index
        %get3A_204 = tpu.vector_load %arg7[%get3A_202, %get3A_203] {strides = array<i32>} : memref<80x512xf32, #tpu.memory_space<vmem>>, vector<1x16xf32>,
        %get3A_205 = vector.shape_cast %get3A_204 : vector<1x16xf32> to vector<16xf32>
        %add3A_206 = arith.addf %add3A_199, %get3A_205 : vector<16xf32>
        %add3A_207 = arith.constant 64 : i32
        %add3A_208 = arith.addi %add3A_207, %select_n3A_163 : i32
        %get3A_209 = arith.index_cast %add3A_208 : i32 to index
        %get3A_210 = arith.index_cast %mul3A_181 : i32 to index
        %get3A_211 = tpu.vector_load %arg7[%get3A_209, %get3A_210] {strides = array<i32>} : memref<80x512xf32, #tpu.memory_space<vmem>>, vector<1x16xf32>,
        %get3A_212 = vector.shape_cast %get3A_211 : vector<1x16xf32> to vector<16xf32>
        %add3A_213 = arith.addf %add3A_206, %get3A_212 : vector<16xf32>
        %swap3A_214 = arith.index_cast %select_n3A_163 : i32 to index
        %swap3A_215 = arith.index_cast %mul3A_181 : i32 to index
        %swap3A_216 = tpu.vector_load %arg8[%swap3A_214, %swap3A_215] {strides = array<i32>} : memref<16x512xf32, #tpu.memory_space<vmem>>, vector<1x16xf32>,
        %swap3A_217 = vector.shape_cast %swap3A_216 : vector<1x16xf32> to vector<16xf32>
        %swap3A_218 = vector.shape_cast %add3A_213 : vector<16xf32> to vector<1x16xf32>
        tpu.vector_store %arg8[%swap3A_214, %swap3A_215], %swap3A_218 {strides = array<i32>} : memref<16x512xf32, #tpu.memory_space<vmem>>, vector<1x16xf32>,
        %scan3A_219 = arith.constant 2 : i32
        %scan3A_220 = arith.addi %scan3A_68, %scan3A_219 : i32
        %jit3A_221 = arith.constant 32 : i32
        %div3A_222 = arith.divsi %scan3A_220, %jit3A_221 : i32
        %sign3A_223 = arith.constant 0 : i32
        %sign3A_224 = arith.cmpi sgt, %scan3A_220, %sign3A_223 : i32
        %sign3A_225 = arith.extui %sign3A_224 : i1 to i32
        %sign3A_226 = arith.constant 0 : i32
        %sign3A_227 = arith.cmpi slt, %scan3A_220, %sign3A_226 : i32
        %sign3A_228 = arith.extui %sign3A_227 : i1 to i32
        %sign3A_229 = arith.subi %sign3A_225, %sign3A_228 : i32
        %sign3A_230 = arith.constant 0 : i32
        %sign3A_231 = arith.cmpi sgt, %jit3A_221, %sign3A_230 : i32
        %sign3A_232 = arith.extui %sign3A_231 : i1 to i32
        %sign3A_233 = arith.constant 0 : i32
        %sign3A_234 = arith.cmpi slt, %jit3A_221, %sign3A_233 : i32
        %sign3A_235 = arith.extui %sign3A_234 : i1 to i32
        %sign3A_236 = arith.subi %sign3A_232, %sign3A_235 : i32
        %ne3A_237 = arith.cmpi ne, %sign3A_229, %sign3A_236 : i32
        %rem3A_238 = arith.remsi %scan3A_220, %jit3A_221 : i32
        %ne3A_239 = arith.constant 0 : i32
        %ne3A_240 = arith.cmpi ne, %rem3A_238, %ne3A_239 : i32
        %and3A_241 = arith.andi %ne3A_237, %ne3A_240 : i1
        %sub3A_242 = arith.constant 1 : i32
        %sub3A_243 = arith.subi %div3A_222, %sub3A_242 : i32
        %select_n3A_244 = arith.select %and3A_241, %sub3A_243, %div3A_222 : i32
        %jit3A_245 = arith.constant 32 : i32
        %eq3A_246 = arith.constant 0 : i32
        %eq3A_247 = arith.cmpi eq, %jit3A_245, %eq3A_246 : i32
        %jit3A_248 = arith.constant 1 : i32
        %select_n3A_249 = arith.select %eq3A_247, %jit3A_248, %jit3A_245 : i32
        %rem3A_250 = arith.remsi %scan3A_220, %select_n3A_249 : i32
        %ne3A_251 = arith.constant 0 : i32
        %ne3A_252 = arith.cmpi ne, %rem3A_250, %ne3A_251 : i32
        %lt3A_253 = arith.constant 0 : i32
        %lt3A_254 = arith.cmpi slt, %rem3A_250, %lt3A_253 : i32
        %lt3A_255 = arith.constant 0 : i32
        %lt3A_256 = arith.cmpi slt, %select_n3A_249, %lt3A_255 : i32
        %ne3A_257 = arith.xori %lt3A_254, %lt3A_256 : i1
        %and3A_258 = arith.andi %ne3A_257, %ne3A_252 : i1
        %add3A_259 = arith.addi %rem3A_250, %select_n3A_249 : i32
        %select_n3A_260 = arith.select %and3A_258, %add3A_259, %rem3A_250 : i32
        %mul3A_261 = arith.constant 16 : i32
        %mul3A_262 = arith.muli %select_n3A_260, %mul3A_261 : i32
        %get3A_263 = arith.index_cast %select_n3A_244 : i32 to index
        %get3A_264 = arith.index_cast %mul3A_262 : i32 to index
        %get3A_265 = tpu.vector_load %arg7[%get3A_263, %get3A_264] {strides = array<i32>} : memref<80x512xf32, #tpu.memory_space<vmem>>, vector<1x16xf32>,
        %get3A_266 = vector.shape_cast %get3A_265 : vector<1x16xf32> to vector<16xf32>
        %add3A_267 = arith.constant 16 : i32
        %add3A_268 = arith.addi %add3A_267, %select_n3A_244 : i32
        %get3A_269 = arith.index_cast %add3A_268 : i32 to index
        %get3A_270 = arith.index_cast %mul3A_262 : i32 to index
        %get3A_271 = tpu.vector_load %arg7[%get3A_269, %get3A_270] {strides = array<i32>} : memref<80x512xf32, #tpu.memory_space<vmem>>, vector<1x16xf32>,
        %get3A_272 = vector.shape_cast %get3A_271 : vector<1x16xf32> to vector<16xf32>
        %add3A_273 = arith.addf %get3A_266, %get3A_272 : vector<16xf32>
        %add3A_274 = arith.constant 32 : i32
        %add3A_275 = arith.addi %add3A_274, %select_n3A_244 : i32
        %get3A_276 = arith.index_cast %add3A_275 : i32 to index
        %get3A_277 = arith.index_cast %mul3A_262 : i32 to index
        %get3A_278 = tpu.vector_load %arg7[%get3A_276, %get3A_277] {strides = array<i32>} : memref<80x512xf32, #tpu.memory_space<vmem>>, vector<1x16xf32>,
        %get3A_279 = vector.shape_cast %get3A_278 : vector<1x16xf32> to vector<16xf32>
        %add3A_280 = arith.addf %add3A_273, %get3A_279 : vector<16xf32>
        %add3A_281 = arith.constant 48 : i32
        %add3A_282 = arith.addi %add3A_281, %select_n3A_244 : i32
        %get3A_283 = arith.index_cast %add3A_282 : i32 to index
        %get3A_284 = arith.index_cast %mul3A_262 : i32 to index
        %get3A_285 = tpu.vector_load %arg7[%get3A_283, %get3A_284] {strides = array<i32>} : memref<80x512xf32, #tpu.memory_space<vmem>>, vector<1x16xf32>,
        %get3A_286 = vector.shape_cast %get3A_285 : vector<1x16xf32> to vector<16xf32>
        %add3A_287 = arith.addf %add3A_280, %get3A_286 : vector<16xf32>
        %add3A_288 = arith.constant 64 : i32
        %add3A_289 = arith.addi %add3A_288, %select_n3A_244 : i32
        %get3A_290 = arith.index_cast %add3A_289 : i32 to index
        %get3A_291 = arith.index_cast %mul3A_262 : i32 to index
        %get3A_292 = tpu.vector_load %arg7[%get3A_290, %get3A_291] {strides = array<i32>} : memref<80x512xf32, #tpu.memory_space<vmem>>, vector<1x16xf32>,
        %get3A_293 = vector.shape_cast %get3A_292 : vector<1x16xf32> to vector<16xf32>
        %add3A_294 = arith.addf %add3A_287, %get3A_293 : vector<16xf32>
        %swap3A_295 = arith.index_cast %select_n3A_244 : i32 to index
        %swap3A_296 = arith.index_cast %mul3A_262 : i32 to index
        %swap3A_297 = tpu.vector_load %arg8[%swap3A_295, %swap3A_296] {strides = array<i32>} : memref<16x512xf32, #tpu.memory_space<vmem>>, vector<1x16xf32>,
        %swap3A_298 = vector.shape_cast %swap3A_297 : vector<1x16xf32> to vector<16xf32>
        %swap3A_299 = vector.shape_cast %add3A_294 : vector<16xf32> to vector<1x16xf32>
        tpu.vector_store %arg8[%swap3A_295, %swap3A_296], %swap3A_299 {strides = array<i32>} : memref<16x512xf32, #tpu.memory_space<vmem>>, vector<1x16xf32>,
        %scan3A_300 = arith.constant 3 : i32
        %scan3A_301 = arith.addi %scan3A_68, %scan3A_300 : i32
        %jit3A_302 = arith.constant 32 : i32
        %div3A_303 = arith.divsi %scan3A_301, %jit3A_302 : i32
        %sign3A_304 = arith.constant 0 : i32
        %sign3A_305 = arith.cmpi sgt, %scan3A_301, %sign3A_304 : i32
        %sign3A_306 = arith.extui %sign3A_305 : i1 to i32
        %sign3A_307 = arith.constant 0 : i32
        %sign3A_308 = arith.cmpi slt, %scan3A_301, %sign3A_307 : i32
        %sign3A_309 = arith.extui %sign3A_308 : i1 to i32
        %sign3A_310 = arith.subi %sign3A_306, %sign3A_309 : i32
        %sign3A_311 = arith.constant 0 : i32
        %sign3A_312 = arith.cmpi sgt, %jit3A_302, %sign3A_311 : i32
        %sign3A_313 = arith.extui %sign3A_312 : i1 to i32
        %sign3A_314 = arith.constant 0 : i32
        %sign3A_315 = arith.cmpi slt, %jit3A_302, %sign3A_314 : i32
        %sign3A_316 = arith.extui %sign3A_315 : i1 to i32
        %sign3A_317 = arith.subi %sign3A_313, %sign3A_316 : i32
        %ne3A_318 = arith.cmpi ne, %sign3A_310, %sign3A_317 : i32
        %rem3A_319 = arith.remsi %scan3A_301, %jit3A_302 : i32
        %ne3A_320 = arith.constant 0 : i32
        %ne3A_321 = arith.cmpi ne, %rem3A_319, %ne3A_320 : i32
        %and3A_322 = arith.andi %ne3A_318, %ne3A_321 : i1
        %sub3A_323 = arith.constant 1 : i32
        %sub3A_324 = arith.subi %div3A_303, %sub3A_323 : i32
        %select_n3A_325 = arith.select %and3A_322, %sub3A_324, %div3A_303 : i32
        %jit3A_326 = arith.constant 32 : i32
        %eq3A_327 = arith.constant 0 : i32
        %eq3A_328 = arith.cmpi eq, %jit3A_326, %eq3A_327 : i32
        %jit3A_329 = arith.constant 1 : i32
        %select_n3A_330 = arith.select %eq3A_328, %jit3A_329, %jit3A_326 : i32
        %rem3A_331 = arith.remsi %scan3A_301, %select_n3A_330 : i32
        %ne3A_332 = arith.constant 0 : i32
        %ne3A_333 = arith.cmpi ne, %rem3A_331, %ne3A_332 : i32
        %lt3A_334 = arith.constant 0 : i32
        %lt3A_335 = arith.cmpi slt, %rem3A_331, %lt3A_334 : i32
        %lt3A_336 = arith.constant 0 : i32
        %lt3A_337 = arith.cmpi slt, %select_n3A_330, %lt3A_336 : i32
        %ne3A_338 = arith.xori %lt3A_335, %lt3A_337 : i1
        %and3A_339 = arith.andi %ne3A_338, %ne3A_333 : i1
        %add3A_340 = arith.addi %rem3A_331, %select_n3A_330 : i32
        %select_n3A_341 = arith.select %and3A_339, %add3A_340, %rem3A_331 : i32
        %mul3A_342 = arith.constant 16 : i32
        %mul3A_343 = arith.muli %select_n3A_341, %mul3A_342 : i32
        %get3A_344 = arith.index_cast %select_n3A_325 : i32 to index
        %get3A_345 = arith.index_cast %mul3A_343 : i32 to index
        %get3A_346 = tpu.vector_load %arg7[%get3A_344, %get3A_345] {strides = array<i32>} : memref<80x512xf32, #tpu.memory_space<vmem>>, vector<1x16xf32>,
        %get3A_347 = vector.shape_cast %get3A_346 : vector<1x16xf32> to vector<16xf32>
        %add3A_348 = arith.constant 16 : i32
        %add3A_349 = arith.addi %add3A_348, %select_n3A_325 : i32
        %get3A_350 = arith.index_cast %add3A_349 : i32 to index
        %get3A_351 = arith.index_cast %mul3A_343 : i32 to index
        %get3A_352 = tpu.vector_load %arg7[%get3A_350, %get3A_351] {strides = array<i32>} : memref<80x512xf32, #tpu.memory_space<vmem>>, vector<1x16xf32>,
        %get3A_353 = vector.shape_cast %get3A_352 : vector<1x16xf32> to vector<16xf32>
        %add3A_354 = arith.addf %get3A_347, %get3A_353 : vector<16xf32>
        %add3A_355 = arith.constant 32 : i32
        %add3A_356 = arith.addi %add3A_355, %select_n3A_325 : i32
        %get3A_357 = arith.index_cast %add3A_356 : i32 to index
        %get3A_358 = arith.index_cast %mul3A_343 : i32 to index
        %get3A_359 = tpu.vector_load %arg7[%get3A_357, %get3A_358] {strides = array<i32>} : memref<80x512xf32, #tpu.memory_space<vmem>>, vector<1x16xf32>,
        %get3A_360 = vector.shape_cast %get3A_359 : vector<1x16xf32> to vector<16xf32>
        %add3A_361 = arith.addf %add3A_354, %get3A_360 : vector<16xf32>
        %add3A_362 = arith.constant 48 : i32
        %add3A_363 = arith.addi %add3A_362, %select_n3A_325 : i32
        %get3A_364 = arith.index_cast %add3A_363 : i32 to index
        %get3A_365 = arith.index_cast %mul3A_343 : i32 to index
        %get3A_366 = tpu.vector_load %arg7[%get3A_364, %get3A_365] {strides = array<i32>} : memref<80x512xf32, #tpu.memory_space<vmem>>, vector<1x16xf32>,
        %get3A_367 = vector.shape_cast %get3A_366 : vector<1x16xf32> to vector<16xf32>
        %add3A_368 = arith.addf %add3A_361, %get3A_367 : vector<16xf32>
        %add3A_369 = arith.constant 64 : i32
        %add3A_370 = arith.addi %add3A_369, %select_n3A_325 : i32
        %get3A_371 = arith.index_cast %add3A_370 : i32 to index
        %get3A_372 = arith.index_cast %mul3A_343 : i32 to index
        %get3A_373 = tpu.vector_load %arg7[%get3A_371, %get3A_372] {strides = array<i32>} : memref<80x512xf32, #tpu.memory_space<vmem>>, vector<1x16xf32>,
        %get3A_374 = vector.shape_cast %get3A_373 : vector<1x16xf32> to vector<16xf32>
        %add3A_375 = arith.addf %add3A_368, %get3A_374 : vector<16xf32>
        %swap3A_376 = arith.index_cast %select_n3A_325 : i32 to index
        %swap3A_377 = arith.index_cast %mul3A_343 : i32 to index
        %swap3A_378 = tpu.vector_load %arg8[%swap3A_376, %swap3A_377] {strides = array<i32>} : memref<16x512xf32, #tpu.memory_space<vmem>>, vector<1x16xf32>,
        %swap3A_379 = vector.shape_cast %swap3A_378 : vector<1x16xf32> to vector<16xf32>
        %swap3A_380 = vector.shape_cast %add3A_375 : vector<16xf32> to vector<1x16xf32>
        tpu.vector_store %arg8[%swap3A_376, %swap3A_377], %swap3A_380 {strides = array<i32>} : memref<16x512xf32, #tpu.memory_space<vmem>>, vector<1x16xf32>,
      }
      %scan3A_67 = arith.constant 512 : i32
      "tpu.region"() ({
        %run_scoped3A = tpu.sem_alloc : memref<!tpu.dma_semaphore, #tpu.memory_space<semaphore_mem>>
        %dma_start3A_68 = arith.constant 0 : i32
        %dma_start3A_69 = tpu.memref_slice %arg5[%add3A_11, %dma_start3A_68] : memref<204800x512xf32, #tpu.memory_space<hbm>> -> memref<16x512xf32, #tpu.memory_space<hbm>>
        %dma_start3A_70 = arith.constant 0 : i32
        %dma_start3A_71 = tpu.memref_slice %arg5[%add3A_11, %dma_start3A_70] : memref<204800x512xf32, #tpu.memory_space<hbm>> -> memref<16x512xf32, #tpu.memory_space<hbm>>
        tpu.enqueue_dma source(%arg8 : memref<16x512xf32, #tpu.memory_space<vmem>>) target(%dma_start3A_71 : memref<16x512xf32, #tpu.memory_space<hbm>>) target_semaphore(%run_scoped3A : memref<!tpu.dma_semaphore, #tpu.memory_space<semaphore_mem>>)
        %dma_wait3A_72 = arith.constant 0 : i32
        %dma_wait3A_73 = tpu.memref_slice %arg5[%add3A_11, %dma_wait3A_72] : memref<204800x512xf32, #tpu.memory_space<hbm>> -> memref<16x512xf32, #tpu.memory_space<hbm>>
        %dma_wait3A_74 = arith.constant 0 : i32
        %dma_wait3A_75 = tpu.memref_slice %arg5[%add3A_11, %dma_wait3A_74] : memref<204800x512xf32, #tpu.memory_space<hbm>> -> memref<16x512xf32, #tpu.memory_space<hbm>>
        tpu.wait_dma2 semaphore(%run_scoped3A : memref<!tpu.dma_semaphore, #tpu.memory_space<semaphore_mem>>) src(%arg8 : memref<16x512xf32, #tpu.memory_space<vmem>>) dst(%dma_wait3A_75 : memref<16x512xf32, #tpu.memory_space<hbm>>)
        tpu.yield
      }) : () -> ()
    }
    %scan3A_7 = arith.constant 400 : i32
    return
  }
}

module attributes {stable_mosaic.version = 14 : i64} {
  func.func @_proj_table_kernel(%arg0: memref<552x640xf32, #tpu.memory_space<vmem>>, %arg1: memref<640x512xf32, #tpu.memory_space<vmem>>, %arg2: memref<1x512xf32, #tpu.memory_space<vmem>>, %arg3: memref<552x512xf32, #tpu.memory_space<vmem>>) attributes {dimension_semantics = [], scalar_prefetch = 0 : i64, scratch_operands = 0 : i64, tpu.core_type = #tpu.core_type<tc>} {
    %get3A = arith.constant 0 : index
    %get3A_0 = arith.constant 0 : index
    %get3A_1 = vector.load %arg0[%get3A, %get3A_0] : memref<552x640xf32, #tpu.memory_space<vmem>>, vector<552x640xf32>
    %get3A_2 = arith.constant 0 : index
    %get3A_3 = arith.constant 0 : index
    %get3A_4 = vector.load %arg1[%get3A_2, %get3A_3] : memref<640x512xf32, #tpu.memory_space<vmem>>, vector<640x512xf32>
    %dot_general3A = arith.constant dense<0.000000e+00> : vector<552x512xf32>
    %dot_general3A_5 = tpu.matmul %get3A_1, %get3A_4, %dot_general3A {dimension_numbers = #tpu.dot_dimension_numbers<[1], [0], [0], [1], [0, 0, 1, 1], [], []>, transpose_lhs_hint = false} : vector<552x640xf32>, vector<640x512xf32>, vector<552x512xf32> -> vector<552x512xf32>
    %iota3A = tpu.iota {dimensions = array<i32: 0>} : vector<552x512xi32>
    %lt3A = arith.constant 40 : i32
    %lt3A_6 = vector.broadcast %lt3A : i32 to vector<552x512xi32>
    %lt3A_7 = arith.cmpi slt, %iota3A, %lt3A_6 : vector<552x512xi32>
    %jit3A = arith.constant 1.000000e+00 : f32
    %jit3A_8 = arith.constant 0.000000e+00 : f32
    %broadcast_in_dim3A = vector.broadcast %jit3A : f32 to vector<552x512xf32>
    %broadcast_in_dim3A_9 = vector.broadcast %jit3A_8 : f32 to vector<552x512xf32>
    %select_n3A = arith.select %lt3A_7, %broadcast_in_dim3A, %broadcast_in_dim3A_9 : vector<552x512xi1>, vector<552x512xf32>
    %get3A_10 = arith.constant 0 : index
    %get3A_11 = arith.constant 0 : index
    %get3A_12 = vector.load %arg2[%get3A_10, %get3A_11] : memref<1x512xf32, #tpu.memory_space<vmem>>, vector<1x512xf32>
    %mul3A = vector.broadcast %get3A_12 : vector<1x512xf32> to vector<552x512xf32>
    %mul3A_13 = arith.mulf %select_n3A, %mul3A : vector<552x512xf32>
    %add3A = arith.addf %dot_general3A_5, %mul3A_13 : vector<552x512xf32>
    %swap3A = arith.constant 0 : index
    %swap3A_14 = arith.constant 0 : index
    %swap3A_15 = vector.load %arg3[%swap3A, %swap3A_14] : memref<552x512xf32, #tpu.memory_space<vmem>>, vector<552x512xf32>
    tpu.vector_store %arg3[%swap3A, %swap3A_14], %add3A {strides = array<i32>} : memref<552x512xf32, #tpu.memory_space<vmem>>, vector<552x512xf32>,
    return
  }
}

</mosaic_0001>

<sc_bundles>
// kernel: kernel.4.cloned.1.call-start
scs
__scs_entry_jumppad:
0x0: {  	(pc) =	sbr.rel $0x88, $3  }
0x1: {  	(tag) =	ssettag $0x0;
	lr =	simm.s32 $0x1  }
0x2: {  	[smem:$0x3F9B] =	sst lr;
	_ =	strace $0xD0000000  }
0x3: {  	_ = 	snop  }
0x4: {  	_ = 	snop  }
0x5: {  	_ = 	snop  }
0x6: {  	_ = 	snop  }
0x7: {  	_ = 	snop  }
__scs_overlays_trampoline_lowered:
0x8: {  	[smem:$0x3FAA] =	sst s0  }
0x9: {  	[smem:$0x3FAB] =	sst s1  }
0xa: {  	[smem:$0x3FAC] =	sst s2  }
0xb: {  	[smem:$0x3FAD] =	sst s3  }
0xc: {  	[smem:$0x3FAE] =	sst s4  }
0xd: {  	[smem:$0x3FAF] =	sst s5  }
0xe: {  	[smem:$0x3FB0] =	sst s6  }
0xf: {  	[smem:$0x3FB1] =	sst s7  }
0x10: {  	[smem:$0x3FB2] =	sst s8  }
0x11: {  	[smem:$0x3FB3] =	sst s9;
	s0 =	simm.s32 @!p0 $0x0  }
0x12: {  	s1 =	sld [smem:$0x3F99];
	s0 =	simm.s32 @p0 $0x1  }
0x13: {  	[smem:$0x3FB4] =	sst s0;
	s0 =	simm.s32 @!p1 $0x0  }
0x14: {  	s2 =	sld [smem:$0x3F98];
	s0 =	simm.s32 @p1 $0x1  }
0x15: {  	[smem:$0x3FB5] =	sst s0;
	s0 =	simm.s32 @!p2 $0x0  }
0x16: {  	s3 =	sld [smem:$0x3FDB];
	s0 =	simm.s32 @p2 $0x1  }
0x17: {  	s4 =	simm.s32 $0x1BF5;
	[smem:$0x3FB7] =	sst s0  }
0x18: {  	s0 =	sld [smem:$0x3F9A];
	_ =	swait.ge [sflag:s4], $0x0  }
0x19: {  	s7 =	sld [smem:$0x3F9B]  }
0x1a: {  	s8 =	sadd.s32 $0xFFFFE003, lr  }
0x1b: {  	s9 =	sadd.s32 $0xFFFFFEF7, lr;
	s5 =	simm.s32 $0xFFFFFFFF;
	p2 =	slt.u32 s8, $0xFFFFF086  }
0x1c: {  	p1 =	slt.u32 s9, $0xF7A;
	s5 =	simm.s32 @!p2 $0x0  }
0x1d: {  	s5 =	simm.s32 @p1 $0x1;
	p0 =	seq.s32 s7, s2  }
0x1e: {  	s7 =	smul.u32 @!p0 $0xF7A, s2;
	p2 =	seq.s32 @!p0 s5, $0x0  }
0x1f: {  	s9 =	smul.u32 $0xF7A, s1;
	s8 =	simm.s32 @!p0 $0x1BF5;
	p2 =	por !p2, p0  }
0x20: {  	[sflag:s8] =	ssyncset.s32 @!p0 $0xFFFFF086;
	s6 =	sadd.s32 @!p0 s3, s7;
	s7 =	simm.s32 @!p0 $0x108  }
0x21: {  	s3 =	sadd.s32 s3, s9;
	s6 =	sadd.s32 @!p0 $0x88, s6;
	s7 =	simm.s32 @p2 $0x1082  }
0x22: {  	[simem:s7], [sflag:s8] =	dma.local @!p0 [hbm:s6], $0xF7A  }
0x23: {  	s9 =	sor.u32 $0xD0000000, s2;
	s6 =	simm.s32 $0x108;
	_ =	swait.ge @!p0 [sflag:s8], $0x0  }
0x24: {  	s3 =	sadd.s32 $0x88, s3;
	s6 =	simm.s32 @!p1 $0x1082;
	[sflag:s4] =	ssyncset.s32 $0xFFFFF086  }
0x25: {  	[simem:s6], [sflag:s4] =	dma.local [hbm:s3], $0xF7A  }
0x26: {  	[smem:$0x3F9B] =	sst s1;
	(tag) =	ssettag s2;
	_ =	strace s9  }
0x27: {  	s1 =	sld [smem:$0x3FAB]  }
0x28: {  	s2 =	sld [smem:$0x3FAC]  }
0x29: {  	s4 =	sld [smem:$0x3FAE]  }
0x2a: {  	p0 =	seq.s32 s5, $0x0;
	s5 =	sld [smem:$0x3FAF]  }
0x2b: {  	s6 =	sld [smem:$0x3FB0]  }
0x2c: {  	s7 =	sld [smem:$0x3FB1]  }
0x2d: {  	s3 =	simm.s32 $0x108;
	s8 =	sld [smem:$0x3FB2]  }
0x2e: {  	s3 =	simm.s32 @!p0 $0x1082;
	s9 =	sld [smem:$0x3FB3]  }
0x2f: {  	lr =	sadd.s32 s0, s3;
	s0 =	sld [smem:$0x3FAA]  }
0x30: {  	s3 =	sld [smem:$0x3FAD]  }
0x31: {  	[smem:$0x3FB6] =	sst s10  }
0x32: {  	s10 =	sld [smem:$0x3FB4];
	_ =	sdelay $0x3  }
0x33: {  	p0 =	seq.s32 s10, $0x1;
	s10 =	sld [smem:$0x3FB6];
	_ =	sdelay $0x3  }
0x34: {  	[smem:$0x3FB6] =	sst s10  }
0x35: {  	s10 =	sld [smem:$0x3FB5];
	_ =	sdelay $0x3  }
0x36: {  	p1 =	seq.s32 s10, $0x1;
	s10 =	sld [smem:$0x3FB6];
	_ =	sdelay $0x3  }
0x37: {  	[smem:$0x3FB6] =	sst s10  }
0x38: {  	s10 =	sld [smem:$0x3FB7]  }
0x39: {  	_ = 	snop;
	(pc) =	sbr.ind lr, $3  }
0x3a: {  	_ = 	snop  }
0x3b: {  	_ = 	snop  }
0x3c: {  	p2 =	seq.s32 s10, $0x1;
	s10 =	sld [smem:$0x3FB6]  }
0x3d: {  	_ =	shalt  }
0x3e: {  	_ =	shalt  }
0x3f: {  	_ =	shalt  }
0x40: {  	_ =	shalt  }
0x41: {  	_ =	shalt  }
0x42: {  	_ =	shalt  }
0x43: {  	_ =	shalt  }
0x44: {  	_ =	shalt  }
0x45: {  	_ =	shalt  }
0x46: {  	_ =	shalt  }
0x47: {  	_ =	shalt  }
0x48: {  	_ =	shalt  }
0x49: {  	_ =	shalt  }
0x4a: {  	_ =	shalt  }
0x4b: {  	_ =	shalt  }
0x4c: {  	_ =	shalt  }
0x4d: {  	_ =	shalt  }
0x4e: {  	_ =	shalt  }
0x4f: {  	_ =	shalt  }
0x50: {  	_ =	shalt  }
0x51: {  	_ =	shalt  }
0x52: {  	_ =	shalt  }
0x53: {  	_ =	shalt  }
0x54: {  	_ =	shalt  }
0x55: {  	_ =	shalt  }
0x56: {  	_ =	shalt  }
0x57: {  	_ =	shalt  }
0x58: {  	_ =	shalt  }
0x59: {  	_ =	shalt  }
0x5a: {  	_ =	shalt  }
0x5b: {  	_ =	shalt  }
0x5c: {  	_ =	shalt  }
0x5d: {  	_ =	shalt  }
0x5e: {  	_ =	shalt  }
0x5f: {  	_ =	shalt  }
0x60: {  	_ =	shalt  }
0x61: {  	_ =	shalt  }
0x62: {  	_ =	shalt  }
0x63: {  	_ =	shalt  }
0x64: {  	_ =	shalt  }
0x65: {  	_ =	shalt  }
0x66: {  	_ =	shalt  }
0x67: {  	_ =	shalt  }
0x68: {  	_ =	shalt  }
0x69: {  	_ =	shalt  }
0x6a: {  	_ =	shalt  }
0x6b: {  	_ =	shalt  }
0x6c: {  	_ =	shalt  }
0x6d: {  	_ =	shalt  }
0x6e: {  	_ =	shalt  }
0x6f: {  	_ =	shalt  }
0x70: {  	_ =	shalt  }
0x71: {  	_ =	shalt  }
0x72: {  	_ =	shalt  }
0x73: {  	_ =	shalt  }
0x74: {  	_ =	shalt  }
0x75: {  	_ =	shalt  }
0x76: {  	_ =	shalt  }
0x77: {  	_ =	shalt  }
0x78: {  	_ =	shalt  }
0x79: {  	_ =	shalt  }
0x7a: {  	_ =	shalt  }
0x7b: {  	_ =	shalt  }
0x7c: {  	_ =	shalt  }
0x7d: {  	_ =	shalt  }
0x7e: {  	_ =	shalt  }
0x7f: {  	_ =	shalt  }
0x80: {  	_ =	shalt  }
0x81: {  	_ =	shalt  }
0x82: {  	_ =	shalt  }
0x83: {  	_ =	shalt  }
0x84: {  	_ =	shalt  }
0x85: {  	_ =	shalt  }
0x86: {  	_ =	shalt  }
0x87: {  	_ =	shalt  }
.Lfunc_end0:
.L_simem_size_0:
called_computation_lowered:
.L_overlay_start_0:
0x88: {  	s2 =	sld [smem:$0x3FD9]  }
0x89: {  	s3 =	sld [smem:$0x3FFE];
	_ =	sdelay $0x1  }
0x8a: {  	s1 =	srdreg.scid  }
0x8b: {  	s0 =	sand.u32 $0x1, s1  }
0x8c: {  	s17 =	sshll.u32 s0, $0xA;
	s2 =	sadd.s32 s3, s2  }
0x8d: {  	s2 =	sadd.s32 s2, s17  }
0x8e: {  	[smem:$0x3FC2] =	sst s2  }
0x8f: {  	_ = 	snop  }
0x90: {  	s2 =	sld [smem:$0x3FD0];
	(tm) =	ssettm $0x1  }
0x91: {  	s18 =	sld [smem:$0x3FFB];
	_ =	sdelay $0x3  }
0x92: {  	_ =	strace s18  }
0x93: {  	s3 =	sld [smem:$0x3FFC];
	_ =	sdelay $0x3  }
0x94: {  	_ =	strace s3  }
0x95: {  	s3 =	sld [smem:$0x3FFD];
	_ =	sdelay $0x3  }
0x96: {  	_ =	strace s3  }
0x97: {  	_ =	strace $0x8FFFFFFF  }
0x98: {  	s19 =	sld [smem:$0x3FDB];
	_ =	sdelay $0x1  }
0x99: {  	s4 =	simm.s32 $_scs_section_size  }
0x9a: {  	s5 =	simm.s32 $_size__tile_overlayer_lowered;
	s6 =	simm.s32 $_tile_overlayer_lowered  }
0x9b: {  	s22 =	simm.s32 $0x1BFF;
	s21 =	sshll.u32 s6, $0x1;
	s3 =	sadd.s32 s4, s19  }
0x9c: {  	s7 =	simm.s32 $0x0;
	s20 =	sshll.u32 s5, $0x1;
	s5 =	sadd.s32 s21, s3  }
0x9d: {  	[timem:s7], [sflag:s22] =	dma.local [hbm:s5], s20  }
0x9e: {  	_ =	swait.ge [sflag:s22], s20  }
0x9f: {  	s4 =	ssub.s32 $0x0, s20;
	[sflag:s22] =	ssyncset.done $0x0  }
0xa0: {  	[sflag:s22] =	ssyncadd.s32 s4;
	_ =	sdelay $0x1  }
0xa1: {  	s23 =	simm.s32 $0x1B8B  }
0xa2: {  	_ =	swait.ge [sflag:s23], $0x1  }
0xa3: {  	[sflag:s23] =	ssyncset.done $0x0  }
0xa4: {  	s25 =	simm.s32 $0x1B8E;
	s24 =	sld [smem:$0x3FFE];
	[sflag:s23] =	ssyncadd.s32 $0xFFFFFFFF  }
0xa5: {  	s26 =	simm.s32 $execute0_lowered;
	[smem:$0x3FD2] =	sst s25  }
0xa6: {  	s5 =	sshll.u32 s26, $0x1;
	_ =	strace $0x80000046;
	[dreg:$0x1] =	wrdreg $0xFFFFFFFF  }
0xa7: {  	s28 =	simm.s32 $_size_execute0_lowered;
	s3 =	sadd.s32 s3, s5;
	[dreg:$0x0] =	wrdreg $0x0  }
0xa8: {  	s5 =	sshll.u32 s28, $0x1;
	[dreg:$0x2] =	wrdreg s3  }
0xa9: {  	[dreg:$0x3] =	wrdreg s5  }
0xaa: {  	[dreg:$0x4] =	wrdreg $0xC0  }
0xab: {  	_ =	task [dreg:s7], $0x5FFFF  }
0xac: {  	[dreg:$0x1] =	wrdreg $0xFFFFFFFF  }
0xad: {  	[dreg:$0x0] =	wrdreg $0x60  }
0xae: {  	[dreg:$0x2] =	wrdreg s24  }
0xaf: {  	[dreg:$0x3] =	wrdreg s2  }
0xb0: {  	[dreg:$0x4] =	wrdreg $0x9  }
0xb1: {  	_ =	task.clear_ibuf [dreg:s7], $0x5FFFF;
	_ =	strace $0x90000046  }
0xb2: {  	s29 =	simm.s32 $0x9;
	_ =	strace $0x80000048  }
0xb3: {  	_ =	swait.ge [sflag:s29], $0x1  }
0xb4: {  	[sflag:s29] =	ssyncadd.s32 $0xFFFFFFFF  }
0xb5: {  	_ =	strace $0x90000048  }
0xb6: {  	_ =	sfence  }
0xb7: {  	s30 =	sld [smem:$0x0];
	_ =	sdelay $0x2  }
0xb8: {  	s31 =	sshll.u32 s1, $0xD;
	s1 =	sshrl.u32 s1, $0x2  }
0xb9: {  	s3 =	sand.u32 $0x4000, s31;
	s1 =	sadd.s32 s1, s30  }
0xba: {  	s0 =	sor.u32 s3, s0;
	s1 =	sshll.u32 s1, $0x11  }
0xbb: {  	s0 =	sor.u32 s1, s0  }
0xbc: {  	s0 =	sadd.s32 $0x8F2B, s0  }
0xbd: {  	[sflag:s0] =	ssyncadd.remote.s32 $0x1  }
0xbe: {  	_ =	sfence.sel $0xFFFF  }
0xbf: {  	[dreg:$0x0] =	wrdreg $0xFFFFFFFF;
	(pc) =	sbr.abs _section_cstart, $3  }
0xc0: {  	[dreg:$0x1] =	wrdreg $0xFFFFFFFF  }
0xc1: {  	_ =	task.clear_ibuf [dreg:s7], $0x2FFFF;
	_ =	strace $0x9FFFFFFF  }
0xc2: {  	(tm) =	ssettm $0x7FFFFFFF  }
0xc3: {  	_ =	shalt  }
tec
execute0_lowered:
.L_overlay_start_1:
0x0: {  	(tag) =	ssettag $0x1  }
0x1: {  	s0 =	rddreg [dreg:$0x0];
	s1 =	simm.s32 $0x0  }
0x2: {  	s30 =	srdreg.scid;
	s3 =	stileid.u32;
	s10 =	simm.s32 $0x2  }
0x3: {  	s11 =	simm.s32 $0xA080;
	[smem:$0x7FF] =	sst s1;
	s1 =	sand.u32 $0x1, s30  }
0x4: {  	s4 =	sadd.s32 $0x20400, s0;
	s3 =	sshll.u32 s3, $0x1;
	s2 =	ssub.s32 $0x2, s1  }
0x5: {  	s5 =	sadd.s32 $0x1000, s0;
	s6 =	sadd.s32 $0x7400, s0;
	s7 =	sshrl.u32 s2, $0x1  }
0x6: {  	v2 =	vlaneseq.u32;
	s8 =	sadd.s32 $0x20500, s0;
	_ =	strace $0x80000047;
	s2 =	ssub.s32 s2, s7  }
0x7: {  	vm0 =	vmmov $0xffff;
	v1 =	vshrl.u32 v2, $0x3;
	s1 =	sor.u32 s1, s3;
	s3 =	simm.s32 $0x1;
	s31 =	smax.u32 s2, $0x1  }
0x8: {  	v0 =	vand.u32 $0x7, v2;
	v2 =	vor.u32 $0x8, v2;
	v1 =	vmul.u32 $0x8, v1;
	s7 =	smul.u32 $0x1900, s1;
	s1 =	simm.s32 $0x0;
	[dreg:$0x3] =	wrdreg s31  }
.LBB2_1:
0x9: {  	[dreg:$0x4] =	wrdreg s1;
	s12 =	simm.s32 $0x0  }
.LBB2_2:
0xa: {  	s13 =	sshll.u32 s12, $0x4  }
0xb: {  	s13 =	sadd.s32 s7, s13  }
0xc: {  	s15 =	sshrl.u32 s13, $0x3  }
0xd: {  	s14 =	simm.s32 $0x0;
	s16 =	sadd.s32 s5, s15  }
0xe: {  	[tilespmem:s14], [sflag:$0x2] =	stream.linear.gather [hbm4b:s16+s14], $0x10, $0x38;
	[tilespmem:$0xC080] =	vst v63  }
0xf: {  	_ =	swait.ge [sflag:s10], $0x10  }
0x10: {  	[sflag:s10] =	ssyncset.done $0x0  }
0x11: {  	s0 =	simm.s32 $0x10;
	s15 =	sadd.s32 s6, s15;
	[sflag:s10] =	ssyncadd.s32 $0xFFFFFFF0  }
0x12: {  	[tilespmem:s0], [sflag:$0x2] =	stream.linear.gather [hbm4b:s15+s14], $0x10, $0x38;
	[tilespmem:$0xC080] =	vst v63  }
0x13: {  	_ =	swait.ge [sflag:s10], $0x10  }
0x14: {  	[sflag:s10] =	ssyncset.done $0x0  }
0x15: {  	s22 =	simm.s32 $0x20;
	s21 =	sadd.s32 $0x6400, s15;
	[sflag:s10] =	ssyncadd.s32 $0xFFFFFFF0  }
0x16: {  	[tilespmem:s22], [sflag:$0x2] =	stream.linear.gather [hbm4b:s21+s14], $0x10, $0x38;
	[tilespmem:$0xC080] =	vst v63  }
0x17: {  	_ =	swait.ge [sflag:s10], $0x10  }
0x18: {  	[sflag:s10] =	ssyncset.done $0x0  }
0x19: {  	s24 =	simm.s32 $0x30;
	s23 =	sadd.s32 $0xC800, s15;
	[sflag:s10] =	ssyncadd.s32 $0xFFFFFFF0  }
0x1a: {  	[tilespmem:s24], [sflag:$0x2] =	stream.linear.gather [hbm4b:s23+s14], $0x10, $0x38;
	[tilespmem:$0xC080] =	vst v63  }
0x1b: {  	_ =	swait.ge [sflag:s10], $0x10  }
0x1c: {  	[sflag:s10] =	ssyncset.done $0x0  }
0x1d: {  	s25 =	simm.s32 $0x40;
	s15 =	sadd.s32 $0x12C00, s15;
	[sflag:s10] =	ssyncadd.s32 $0xFFFFFFF0  }
0x1e: {  	[tilespmem:s25], [sflag:$0x2] =	stream.linear.gather [hbm4b:s15+s14], $0x10, $0x38;
	[tilespmem:$0xC080] =	vst v63  }
0x1f: {  	_ =	swait.ge [sflag:s10], $0x10  }
0x20: {  	[sflag:s10] =	ssyncset.done $0x0  }
0x21: {  	[sflag:s10] =	ssyncadd.s32 $0xFFFFFFF0  }
0x22: {  	v3 =	vld [tilespmem:$0x0];
	_ =	sdelay $0x4  }
0x23: {  	v4 =	vld [tilespmem:$0x10];
	v5 =	vshll.u32 v3, $0x2  }
0x24: {  	v6 =	vld [tilespmem:$0x20];
	v3 =	vand.u32 $0x7, v3;
	v5 =	vand.u32 $0xFFFFFFE0, v5  }
0x25: {  	v7 =	vld [tilespmem:$0x30];
	v3 =	vor.u32 v3, v5  }
0x26: {  	v5 =	vld [tilespmem:$0x40];
	v8 =	vperm.xlane v3, v0;
	_ =	sdelay $0x1  }
0x27: {  	v4 =	vadd.s32 $0x28, v4;
	v8 =	vadd.s32 v1, v8  }
0x28: {  	[tilespmem:$0x10] =	vst v4;
	v4 =	vadd.s32 $0xA8, v6  }
0x29: {  	[tilespmem:$0x20] =	vst v4;
	v4 =	vadd.s32 $0x128, v7;
	v3 =	vperm.xlane v3, v2  }
0x2a: {  	[tilespmem:$0x30] =	vst v4;
	v4 =	vadd.s32 $0x1A8, v5  }
0x2b: {  	s26 =	simm.s32 $0x80;
	v3 =	vadd.s32 v1, v3;
	[tilespmem:$0x40] =	vst v4  }
0x2c: {  	[tilespmem:s26], [sflag:$0x1] =	stream.indirect_vreg.gather [hbm4b:s4+s14], $0x80, v8, vm0, $0xb8;
	[tilespmem:$0xC080] =	vst v63  }
0x2d: {  	s28 =	simm.s32 $0x880  }
0x2e: {  	[tilespmem:s28], [sflag:$0x1] =	stream.indirect_vreg.gather [hbm4b:s8+s14], $0x80, v8, vm0, $0xb8;
	[tilespmem:$0xC080] =	vst v63  }
0x2f: {  	s29 =	simm.s32 $0x1080  }
0x30: {  	[tilespmem:s29], [sflag:$0x1] =	stream.indirect_vreg.gather [hbm4b:s4+s14], $0x80, v3, vm0, $0xb8;
	[tilespmem:$0xC080] =	vst v63  }
0x31: {  	s30 =	simm.s32 $0x1880  }
0x32: {  	[tilespmem:s30], [sflag:$0x1] =	stream.indirect_vreg.gather [hbm4b:s8+s14], $0x80, v3, vm0, $0xb8;
	[tilespmem:$0xC080] =	vst v63  }
0x33: {  	v3 =	vld [tilespmem:$0x10];
	_ =	sdelay $0x4  }
0x34: {  	v4 =	vshll.u32 v3, $0x2  }
0x35: {  	v3 =	vand.u32 $0x7, v3;
	v4 =	vand.u32 $0xFFFFFFE0, v4  }
0x36: {  	v3 =	vor.u32 v3, v4  }
0x37: {  	v4 =	vperm.xlane v3, v0;
	_ =	sdelay $0x1  }
0x38: {  	v4 =	vadd.s32 v1, v4;
	_ =	sdelay $0x1  }
0x39: {  	v3 =	vperm.xlane v3, v2;
	_ =	sdelay $0x1  }
0x3a: {  	s31 =	simm.s32 $0x2080;
	v3 =	vadd.s32 v1, v3  }
0x3b: {  	[tilespmem:s31], [sflag:$0x1] =	stream.indirect_vreg.gather [hbm4b:s4+s14], $0x80, v4, vm0, $0xb8;
	[tilespmem:$0xC080] =	vst v63  }
0x3c: {  	s1 =	simm.s32 $0x2880  }
0x3d: {  	[tilespmem:s1], [sflag:$0x1] =	stream.indirect_vreg.gather [hbm4b:s8+s14], $0x80, v4, vm0, $0xb8;
	[tilespmem:$0xC080] =	vst v63  }
0x3e: {  	s2 =	simm.s32 $0x3080  }
0x3f: {  	[tilespmem:s2], [sflag:$0x1] =	stream.indirect_vreg.gather [hbm4b:s4+s14], $0x80, v3, vm0, $0xb8;
	[tilespmem:$0xC080] =	vst v63  }
0x40: {  	s9 =	simm.s32 $0x3880  }
0x41: {  	[tilespmem:s9], [sflag:$0x1] =	stream.indirect_vreg.gather [hbm4b:s8+s14], $0x80, v3, vm0, $0xb8;
	[tilespmem:$0xC080] =	vst v63  }
0x42: {  	v3 =	vld [tilespmem:$0x20];
	_ =	sdelay $0x4  }
0x43: {  	v4 =	vshll.u32 v3, $0x2  }
0x44: {  	v3 =	vand.u32 $0x7, v3;
	v4 =	vand.u32 $0xFFFFFFE0, v4  }
0x45: {  	v3 =	vor.u32 v3, v4  }
0x46: {  	v4 =	vperm.xlane v3, v0;
	_ =	sdelay $0x1  }
0x47: {  	v4 =	vadd.s32 v1, v4;
	_ =	sdelay $0x1  }
0x48: {  	v3 =	vperm.xlane v3, v2;
	_ =	sdelay $0x1  }
0x49: {  	s15 =	simm.s32 $0x4080;
	v3 =	vadd.s32 v1, v3  }
0x4a: {  	[tilespmem:s15], [sflag:$0x1] =	stream.indirect_vreg.gather [hbm4b:s4+s14], $0x80, v4, vm0, $0xb8;
	[tilespmem:$0xC080] =	vst v63  }
0x4b: {  	s16 =	simm.s32 $0x4880  }
0x4c: {  	[tilespmem:s16], [sflag:$0x1] =	stream.indirect_vreg.gather [hbm4b:s8+s14], $0x80, v4, vm0, $0xb8;
	[tilespmem:$0xC080] =	vst v63  }
0x4d: {  	s17 =	simm.s32 $0x5080  }
0x4e: {  	[tilespmem:s17], [sflag:$0x1] =	stream.indirect_vreg.gather [hbm4b:s4+s14], $0x80, v3, vm0, $0xb8;
	[tilespmem:$0xC080] =	vst v63  }
0x4f: {  	s18 =	simm.s32 $0x5880  }
0x50: {  	[tilespmem:s18], [sflag:$0x1] =	stream.indirect_vreg.gather [hbm4b:s8+s14], $0x80, v3, vm0, $0xb8;
	[tilespmem:$0xC080] =	vst v63  }
0x51: {  	v3 =	vld [tilespmem:$0x30];
	_ =	sdelay $0x4  }
0x52: {  	v4 =	vshll.u32 v3, $0x2  }
0x53: {  	v3 =	vand.u32 $0x7, v3;
	v4 =	vand.u32 $0xFFFFFFE0, v4  }
0x54: {  	v3 =	vor.u32 v3, v4  }
0x55: {  	v4 =	vperm.xlane v3, v0;
	_ =	sdelay $0x1  }
0x56: {  	v4 =	vadd.s32 v1, v4;
	_ =	sdelay $0x1  }
0x57: {  	v3 =	vperm.xlane v3, v2;
	_ =	sdelay $0x1  }
0x58: {  	s19 =	simm.s32 $0x6080;
	v3 =	vadd.s32 v1, v3  }
0x59: {  	[tilespmem:s19], [sflag:$0x1] =	stream.indirect_vreg.gather [hbm4b:s4+s14], $0x80, v4, vm0, $0xb8;
	[tilespmem:$0xC080] =	vst v63  }
0x5a: {  	s20 =	simm.s32 $0x6880  }
0x5b: {  	[tilespmem:s20], [sflag:$0x1] =	stream.indirect_vreg.gather [hbm4b:s8+s14], $0x80, v4, vm0, $0xb8;
	[tilespmem:$0xC080] =	vst v63  }
0x5c: {  	s21 =	simm.s32 $0x7080  }
0x5d: {  	[tilespmem:s21], [sflag:$0x1] =	stream.indirect_vreg.gather [hbm4b:s4+s14], $0x80, v3, vm0, $0xb8;
	[tilespmem:$0xC080] =	vst v63  }
0x5e: {  	s22 =	simm.s32 $0x7880  }
0x5f: {  	[tilespmem:s22], [sflag:$0x1] =	stream.indirect_vreg.gather [hbm4b:s8+s14], $0x80, v3, vm0, $0xb8;
	[tilespmem:$0xC080] =	vst v63  }
0x60: {  	v3 =	vld [tilespmem:$0x40];
	_ =	sdelay $0x4  }
0x61: {  	v4 =	vshll.u32 v3, $0x2  }
0x62: {  	v3 =	vand.u32 $0x7, v3;
	v4 =	vand.u32 $0xFFFFFFE0, v4  }
0x63: {  	v3 =	vor.u32 v3, v4  }
0x64: {  	v4 =	vperm.xlane v3, v0;
	_ =	sdelay $0x1  }
0x65: {  	v4 =	vadd.s32 v1, v4;
	_ =	sdelay $0x1  }
0x66: {  	v3 =	vperm.xlane v3, v2;
	_ =	sdelay $0x1  }
0x67: {  	s23 =	simm.s32 $0x8080;
	v3 =	vadd.s32 v1, v3  }
0x68: {  	[tilespmem:s23], [sflag:$0x1] =	stream.indirect_vreg.gather [hbm4b:s4+s14], $0x80, v4, vm0, $0xb8;
	[tilespmem:$0xC080] =	vst v63  }
0x69: {  	s24 =	simm.s32 $0x8880;
	s25 =	simm.s32 $0x9080;
	s28 =	simm.s32 $0x0  }
0x6a: {  	[tilespmem:s24], [sflag:$0x1] =	stream.indirect_vreg.gather [hbm4b:s8+s14], $0x80, v4, vm0, $0xb8;
	[tilespmem:$0xC080] =	vst v63  }
0x6b: {  	s29 =	simm.s32 $0x0;
	s15 =	sand.u32 $0x380, s28;
	s17 =	sand.u32 $0xC00, s14  }
0x6c: {  	[tilespmem:s25], [sflag:$0x1] =	stream.indirect_vreg.gather [hbm4b:s4+s14], $0x80, v3, vm0, $0xb8;
	[tilespmem:$0xC080] =	vst v63  }
0x6d: {  	s26 =	simm.s32 $0x9880;
	s16 =	sand.u32 $0x1000, s29;
	s15 =	sor.u32 s17, s15  }
0x6e: {  	[tilespmem:s26], [sflag:$0x1] =	stream.indirect_vreg.gather [hbm4b:s8+s14], $0x80, v3, vm0, $0xb8;
	[tilespmem:$0xC080] =	vst v63  }
0x6f: {  	s15 =	sor.u32 s16, s15;
	_ =	swait.ge [sflag:s3], $0xA000  }
0x70: {  	s16 =	sand.u32 $0x40, s14;
	s17 =	sadd.s32 $0x2080, s15;
	[sflag:s3] =	ssyncset.done $0x0  }
0x71: {  	s18 =	sor.u32 s16, s17;
	[sflag:s3] =	ssyncadd.s32 $0xFFFF6000  }
0x72: {  	s19 =	sor.u32 s16, s15;
	v3 =	vld [tilespmem:s18+$0x0]  }
0x73: {  	s18 =	sadd.s32 $0x4080, s15;
	v4 =	vld [tilespmem:s19+$0x80]  }
0x74: {  	s20 =	sor.u32 s16, s18  }
0x75: {  	s21 =	sadd.s32 $0x6080, s15;
	v5 =	vld [tilespmem:s20+$0x0]  }
0x76: {  	s30 =	sor.u32 s16, s21  }
0x77: {  	s23 =	sadd.s32 $0x8080, s15;
	v6 =	vld [tilespmem:s30+$0x0]  }
0x78: {  	s31 =	sor.u32 s16, s23;
	v3 =	vadd.f32 v3, v4  }
0x79: {  	v4 =	vld [tilespmem:s31+$0x0]  }
0x7a: {  	v3 =	vadd.f32 v5, v3;
	_ =	sdelay $0x1  }
0x7b: {  	v3 =	vadd.f32 v6, v3;
	_ =	sdelay $0x1  }
0x7c: {  	v3 =	vadd.f32 v4, v3  }
0x7d: {  	s0 =	sor.u32 $0x10, s16  }
0x7e: {  	s1 =	sor.u32 s0, s15;
	[tilespmem:s19+$0xA080] =	vst v3  }
0x7f: {  	s22 =	sor.u32 s0, s17;
	v3 =	vld [tilespmem:s1+$0x80]  }
0x80: {  	v4 =	vld [tilespmem:s22+$0x0]  }
0x81: {  	s2 =	sor.u32 s0, s18  }
0x82: {  	v5 =	vld [tilespmem:s2+$0x0]  }
0x83: {  	s9 =	sor.u32 s0, s21  }
0x84: {  	v6 =	vld [tilespmem:s9+$0x0]  }
0x85: {  	s20 =	sor.u32 s0, s23;
	v3 =	vadd.f32 v4, v3  }
0x86: {  	v4 =	vld [tilespmem:s20+$0x0]  }
0x87: {  	v3 =	vadd.f32 v5, v3;
	_ =	sdelay $0x1  }
0x88: {  	v3 =	vadd.f32 v6, v3;
	_ =	sdelay $0x1  }
0x89: {  	v3 =	vadd.f32 v4, v3  }
0x8a: {  	s24 =	sor.u32 $0x20, s16  }
0x8b: {  	s25 =	sor.u32 s24, s15;
	[tilespmem:s1+$0xA080] =	vst v3  }
0x8c: {  	s26 =	sor.u32 s24, s17;
	v3 =	vld [tilespmem:s25+$0x80]  }
0x8d: {  	v4 =	vld [tilespmem:s26+$0x0]  }
0x8e: {  	s28 =	sor.u32 s24, s18  }
0x8f: {  	v5 =	vld [tilespmem:s28+$0x0]  }
0x90: {  	s29 =	sor.u32 s24, s21  }
0x91: {  	v6 =	vld [tilespmem:s29+$0x0]  }
0x92: {  	s20 =	sor.u32 s24, s23;
	v3 =	vadd.f32 v4, v3  }
0x93: {  	v4 =	vld [tilespmem:s20+$0x0]  }
0x94: {  	v3 =	vadd.f32 v5, v3;
	_ =	sdelay $0x1  }
0x95: {  	v3 =	vadd.f32 v6, v3;
	_ =	sdelay $0x1  }
0x96: {  	v3 =	vadd.f32 v4, v3  }
0x97: {  	s16 =	sor.u32 $0x30, s16  }
0x98: {  	s17 =	sor.u32 s16, s17;
	[tilespmem:s25+$0xA080] =	vst v3  }
0x99: {  	s22 =	sor.u32 s16, s15;
	v6 =	vld [tilespmem:s17+$0x0]  }
0x9a: {  	v7 =	vld [tilespmem:s22+$0x80]  }
0x9b: {  	s30 =	sor.u32 s16, s18  }
0x9c: {  	v5 =	vld [tilespmem:s30+$0x0]  }
0x9d: {  	s31 =	sor.u32 s16, s21  }
0x9e: {  	s16 =	sor.u32 s16, s23;
	v4 =	vld [tilespmem:s31+$0x0]  }
0x9f: {  	s15 =	simm.s32 $0x0;
	v3 =	vld [tilespmem:s16+$0x0];
	s16 =	simm.s32 $0x0;
	v6 =	vadd.f32 v6, v7  }
.LBB2_3:
0xa0: {  	_ = 	snop  }
0xa1: {  	s15 =	sadd.s32 $0x4, s15;
	v5 =	vadd.f32 v5, v6  }
0xa2: {  	s14 =	sadd.s32 $0x200, s14;
	s17 =	sshll.u32 s15, $0x4;
	s18 =	sshll.u32 s15, $0x2  }
0xa3: {  	s19 =	sand.u32 $0xC00, s14;
	p0 =	slt.u32 s15, $0x1FC;
	s18 =	sand.u32 $0x380, s18;
	v4 =	vadd.f32 v4, v5  }
0xa4: {  	s17 =	sand.u32 $0x1000, s17;
	s18 =	sor.u32 s19, s18  }
0xa5: {  	s16 =	sadd.s32 $0x40, s16;
	s17 =	sor.u32 s17, s18;
	v3 =	vadd.f32 v3, v4  }
0xa6: {  	s29 =	sand.u32 $0x40, s16;
	s30 =	sadd.s32 $0x2080, s17;
	s31 =	sadd.s32 $0x4080, s17  }
0xa7: {  	s0 =	sor.u32 s29, s17;
	s18 =	sor.u32 s29, s30;
	s19 =	sor.u32 s29, s31;
	[tilespmem:s22+$0xA080] =	vst v3  }
0xa8: {  	s25 =	sor.u32 $0x20, s29;
	s2 =	sadd.s32 $0x6080, s17;
	s9 =	sadd.s32 $0x8080, s17;
	v3 =	vld [tilespmem:s18+$0x0]  }
0xa9: {  	s20 =	sor.u32 s29, s2;
	s1 =	sor.u32 s29, s9;
	s28 =	sor.u32 s25, s30;
	v4 =	vld [tilespmem:s0+$0x80]  }
0xaa: {  	s26 =	sor.u32 s25, s31;
	s24 =	sor.u32 s25, s2;
	s23 =	sor.u32 s25, s9  }
0xab: {  	s22 =	sor.u32 $0x30, s29;
	v5 =	vld [tilespmem:s19+$0x0]  }
0xac: {  	s21 =	sor.u32 s22, s30;
	s18 =	sor.u32 s22, s2;
	s19 =	sor.u32 s22, s31  }
0xad: {  	v6 =	vld [tilespmem:s20+$0x0];
	s20 =	sor.u32 s22, s9  }
0xae: {  	v3 =	vadd.f32 v3, v4  }
0xaf: {  	v4 =	vld [tilespmem:s1+$0x0]  }
0xb0: {  	v3 =	vadd.f32 v5, v3;
	_ =	sdelay $0x1  }
0xb1: {  	v3 =	vadd.f32 v6, v3;
	_ =	sdelay $0x1  }
0xb2: {  	v3 =	vadd.f32 v4, v3  }
0xb3: {  	s1 =	sor.u32 $0x10, s29  }
0xb4: {  	s29 =	sor.u32 s1, s30;
	s30 =	sor.u32 s1, s31;
	[tilespmem:s0+$0xA080] =	vst v3;
	s0 =	sor.u32 s1, s17  }
0xb5: {  	s2 =	sor.u32 s1, s2;
	s1 =	sor.u32 s1, s9;
	v3 =	vld [tilespmem:s0+$0x80]  }
0xb6: {  	v4 =	vld [tilespmem:s29+$0x0];
	_ =	sdelay $0x1  }
0xb7: {  	v5 =	vld [tilespmem:s30+$0x0];
	_ =	sdelay $0x1  }
0xb8: {  	v6 =	vld [tilespmem:s2+$0x0]  }
0xb9: {  	v3 =	vadd.f32 v4, v3  }
0xba: {  	v4 =	vld [tilespmem:s1+$0x0]  }
0xbb: {  	v3 =	vadd.f32 v5, v3;
	_ =	sdelay $0x1  }
0xbc: {  	v3 =	vadd.f32 v6, v3;
	_ =	sdelay $0x1  }
0xbd: {  	v3 =	vadd.f32 v4, v3;
	_ =	sdelay $0x1  }
0xbe: {  	[tilespmem:s0+$0xA080] =	vst v3;
	s0 =	sor.u32 s25, s17  }
0xbf: {  	v3 =	vld [tilespmem:s0+$0x80]  }
0xc0: {  	v4 =	vld [tilespmem:s28+$0x0];
	_ =	sdelay $0x1  }
0xc1: {  	v5 =	vld [tilespmem:s26+$0x0];
	_ =	sdelay $0x1  }
0xc2: {  	v6 =	vld [tilespmem:s24+$0x0]  }
0xc3: {  	v3 =	vadd.f32 v4, v3  }
0xc4: {  	v4 =	vld [tilespmem:s23+$0x0]  }
0xc5: {  	v3 =	vadd.f32 v5, v3;
	_ =	sdelay $0x1  }
0xc6: {  	v3 =	vadd.f32 v6, v3;
	_ =	sdelay $0x1  }
0xc7: {  	v3 =	vadd.f32 v4, v3;
	_ =	sdelay $0x1  }
0xc8: {  	s22 =	sor.u32 s22, s17;
	[tilespmem:s0+$0xA080] =	vst v3  }
0xc9: {  	v6 =	vld [tilespmem:s22+$0x80]  }
0xca: {  	v7 =	vld [tilespmem:s21+$0x0]  }
.Ltmp0:
0xcb: {  	v5 =	vld [tilespmem:s19+$0x0];
	(pc) =	sbr.rel @p0 .LBB2_3-.Ltmp0, $3  }
0xcc: {  	v4 =	vld [tilespmem:s18+$0x0]  }
0xcd: {  	v3 =	vld [tilespmem:s20+$0x0];
	_ =	sdelay $0x1  }
0xce: {  	v6 =	vadd.f32 v7, v6  }
0xcf: {  	_ = 	snop  }
0xd0: {  	v5 =	vadd.f32 v5, v6;
	_ =	sdelay $0x1  }
0xd1: {  	v4 =	vadd.f32 v4, v5;
	_ =	sdelay $0x1  }
0xd2: {  	s12 =	sadd.s32 $0x1, s12;
	v3 =	vadd.f32 v3, v4  }
0xd3: {  	s0 =	sshll.u32 s13, $0x6;
	s1 =	rddreg [dreg:$0x1];
	p0 =	sne.s32 s12, $0x190  }
.Ltmp1:
0xd4: {  	s31 =	simm.s32 $0x0;
	s0 =	sadd.s32 s1, s0;
	[tilespmem:s22+$0xA080] =	vst v3;
	(pc) =	sbr.rel @p0 .LBB2_2-.Ltmp1, $4  }
0xd5: {  	[hbm4b:s0+s31] =	stream.linear.scatter [tilespmem:s11], [sflag:$0x2], $0x2000, $0x38;
	[tilespmem:$0xC080] =	vst v63  }
0xd6: {  	_ =	swait.ge [sflag:s10], $0x2000  }
0xd7: {  	[sflag:s10] =	ssyncset.done $0x0  }
0xd8: {  	[sflag:s10] =	ssyncadd.s32 $0xFFFFE000  }
0xd9: {  	s1 =	rddreg [dreg:$0x4]  }
0xda: {  	s0 =	rddreg [dreg:$0x3];
	s1 =	sadd.s32 $0x1, s1  }
0xdb: {  	p0 =	sne.s32 s1, s0  }
.Ltmp2:
0xdc: {  	_ = 	snop;
	(pc) =	sbr.rel @p0 .LBB2_1-.Ltmp2, $1  }
0xdd: {  	_ =	sdelay $0x3  }
0xde: {  	_ =	sfence.sel $0x180000  }
0xdf: {  	[bflag:$0x0] =	sbarrier.arrive $0xFFFF  }
0xe0: {  	_ =	strace $0x90000047  }
0xe1: {  	s0 =	stileid.u32;
	[bflag:$0x2] =	sbarrier.arrive $0xFFFF  }
0xe2: {  	p0 =	sne.s32 s0, $0x0;
	s0 =	rddreg [dreg:$0x2]  }
0xe3: {  	s0 =	sadd.s32 @!p0 $0x100000, s0  }
0xe4: {  	[sflag:s0] =	ssyncadd.tile.s32 @!p0 $0x1;
	_ =	shalt  }
.Lfunc_end2:
_tile_overlayer_lowered:
.L_overlay_start_2:
0xe5: {  	(tag) =	ssettag $0x2  }
0xe6: {  	s0 =	rddreg [dreg:$0x0];
	s2 =	stileid.u32  }
0xe7: {  	s1 =	rddreg [dreg:$0x1];
	p0 =	sne.s32 s2, $0x0  }
0xe8: {  	s3 =	rddreg [dreg:$0x2];
	[bflag:$0x3] =	sbarrier.arrive $0xFFFF;
	s2 =	simm.s32 @!p0 $0x1C02  }
0xe9: {  	[timem:s3], [sflag:s2] =	dma.local @!p0 [hbm:s0], s1  }
0xea: {  	s0 =	simm.s32 @!p0 $0x2  }
0xeb: {  	_ =	swait.ge @!p0 [sflag:s0], s1  }
0xec: {  	s1 =	ssub.s32 @!p0 $0x0, s1;
	[sflag:s0] =	ssyncset.done @!p0 $0x0  }
0xed: {  	[sflag:s0] =	ssyncadd.s32 @!p0 s1  }
0xee: {  	[bflag:$0x3] =	sbarrier.arrive $0xFFFF  }
0xef: {  	_ =	shalt  }

</sc_bundles>
